<compile_context>
chip_gen: v7x
topology: tpu7x:2x2x1
jax: 0.10.2.dev20260603
libtpu: 0.0.44.dev20260713+nightly
codegen_flags: <defaults>
</compile_context>

<pallas_src>
import math

import numpy as np
import jax
import jax.numpy as jnp
from jax.experimental import pallas as pl
from jax.experimental.pallas import tpu as pltpu

_STRIDE = 16
_IMG = 800.0
_PRE = 2000
_POST = 1000
_THR = 0.7
_MINS = 1e-3
_NEG = -1e9
_BCLIP = math.log(1000.0 / 16.0)

_MT = 512
_NMS_T = 128
_NMS_N = 2048


def _anchor_planes(H, W):
    scales = np.array([128.0, 256.0, 512.0])
    ratios = np.array([0.5, 1.0, 2.0])
    h_r = np.sqrt(ratios)
    w_r = 1.0 / h_r
    ws = (w_r[:, None] * scales[None, :]).reshape(-1)
    hs = (h_r[:, None] * scales[None, :]).reshape(-1)
    base = np.stack([-ws, -hs, ws, hs], axis=1) / 2.0
    sx = np.arange(W) * _STRIDE
    sy = np.arange(H) * _STRIDE
    yy, xx = np.meshgrid(sy, sx, indexing='ij')
    shifts = np.stack([xx, yy, xx, yy], axis=-1).reshape(-1, 4).astype(np.float32)
    anc = (shifts[:, None, :] + base[None, :, :]).astype(np.float32)
    wa = anc[:, :, 2] - anc[:, :, 0]
    ha = anc[:, :, 3] - anc[:, :, 1]
    cxa = anc[:, :, 0] + 0.5 * wa
    cya = anc[:, :, 1] + 0.5 * ha
    planes = []
    for p in (wa, ha, cxa, cya):
        planes.append(np.pad(p, ((0, 0), (0, 16 - p.shape[1]))))
    return np.concatenate(planes, axis=1).astype(np.float32)


def _head_kernel(x_ref, w1_ref, b1_ref, wcr_ref, bcr_ref, anc_ref, out_ref,
                 hid_ref):
    P = hid_ref.shape[0]
    C = w1_ref.shape[1]
    hid_ref[...] = jnp.zeros_like(hid_ref)
    for t, (dyy, dxx) in enumerate((a, b) for a in range(3) for b in range(3)):
        off = dyy * 52 + dxx
        xs = x_ref[off:P, :].astype(jnp.bfloat16)
        wt = w1_ref[t * C:(t + 1) * C, :].astype(jnp.bfloat16)
        hid_ref[0:P - off, :] += jnp.dot(xs, wt,
                                         preferred_element_type=jnp.float32)
    hid = jnp.maximum(hid_ref[...] + b1_ref[...], 0.0)
    cr = jnp.dot(hid.astype(jnp.bfloat16), wcr_ref[...].astype(jnp.bfloat16),
                 preferred_element_type=jnp.float32) + bcr_ref[...]
    dx = cr[:, 0:16]
    dy = cr[:, 16:32]
    dw = jnp.minimum(cr[:, 32:48], _BCLIP)
    dh = jnp.minimum(cr[:, 48:64], _BCLIP)
    obj = cr[:, 64:80]
    anc = anc_ref[...]
    wa = anc[:, 0:16]
    ha = anc[:, 16:32]
    cxa = anc[:, 32:48]
    cya = anc[:, 48:64]
    cx = dx * wa + cxa
    cy = dy * ha + cya
    w = jnp.exp(dw) * wa
    h = jnp.exp(dh) * ha
    x1 = jnp.clip(cx - 0.5 * w, 0.0, _IMG)
    y1 = jnp.clip(cy - 0.5 * h, 0.0, _IMG)
    x2 = jnp.clip(cx + 0.5 * w, 0.0, _IMG)
    y2 = jnp.clip(cy + 0.5 * h, 0.0, _IMG)
    valid = ((x2 - x1) >= _MINS) & ((y2 - y1) >= _MINS)
    logit = jnp.where(valid, obj, _NEG)
    out_ref[:, 0:16] = x1
    out_ref[:, 16:32] = y1
    out_ref[:, 32:48] = x2
    out_ref[:, 48:64] = y2
    out_ref[:, 64:80] = logit
    out_ref[:, 80:128] = jnp.zeros_like(cr[:, 80:128])


def _nms_kernel(br_ref, bt_ref, out_ref, keepall_ref, okk_ref):
    T = _NMS_T
    N = _NMS_N
    bx1 = br_ref[:, 0:1]
    by1 = br_ref[:, 1:2]
    bx2 = br_ref[:, 2:3]
    by2 = br_ref[:, 3:4]
    area_b = (bx2 - bx1) * (by2 - by1)
    keepall_ref[...] = jnp.zeros((8, N), jnp.float32)
    iota_l = jax.lax.broadcasted_iota(jnp.int32, (1, T), 1)
    for k in range(N // T):
        s = k * T
        ax1 = bt_ref[0:1, s:s + T]
        ay1 = bt_ref[1:2, s:s + T]
        ax2 = bt_ref[2:3, s:s + T]
        ay2 = bt_ref[3:4, s:s + T]
        area_a = (ax2 - ax1) * (ay2 - ay1)
        iw = jnp.maximum(jnp.minimum(bx2, ax2) - jnp.maximum(bx1, ax1), 0.0)
        ih = jnp.maximum(jnp.minimum(by2, ay2) - jnp.maximum(by1, ay1), 0.0)
        inter = iw * ih
        over = (inter > _THR * (area_b + area_a - inter + 1e-9)).astype(jnp.float32)
        prev = keepall_ref[0:1, :]
        sup = jnp.dot(prev, over, preferred_element_type=jnp.float32)
        okk_ref[...] = over[s:s + T, :]
        kinit = jnp.where(sup > 0.5, 0.0, 1.0)

        def body(i, kloc):
            oh = (iota_l == i).astype(jnp.float32)
            srow = jnp.dot(kloc * oh, okk_ref[...],
                           preferred_element_type=jnp.float32)
            gt = (iota_l > i).astype(jnp.float32)
            return kloc * (1.0 - srow * gt)

        kloc = kinit
        keepall_ref[0:1, s:s + T] = kloc
    out_ref[...] = jnp.broadcast_to(keepall_ref[0:1, :], (8, N))


def kernel(features, W1, b1, Wc, bc, Wr, br):
    B, C, H, W = features.shape
    HW = H * W
    A = Wc.shape[0]
    Hp, Wp = H + 2, W + 2
    P = Hp * Wp

    feat = jnp.transpose(features, (0, 2, 3, 1))
    xpad = jnp.pad(feat, ((0, 0), (1, 1), (1, 1), (0, 0)))
    xflat = xpad.reshape(B * P, C)
    w1mat = jnp.transpose(W1, (2, 3, 1, 0)).reshape(9 * C, C)
    b1r = b1.reshape(1, C)
    wr_part = jnp.transpose(Wr[:, :, 0, 0].reshape(A, 4, C), (1, 0, 2))
    wr_part = jnp.pad(wr_part, ((0, 0), (0, 16 - A), (0, 0))).reshape(64, C)
    wc_part = jnp.pad(Wc[:, :, 0, 0], ((0, 16 - A), (0, 0)))
    wcr = jnp.concatenate(
        [wr_part, wc_part, jnp.zeros((48, C), jnp.float32)], axis=0).T
    br_part = jnp.pad(jnp.transpose(br.reshape(A, 4)), ((0, 0), (0, 16 - A)))
    bcr = jnp.concatenate(
        [br_part.reshape(-1), jnp.pad(bc, (0, 16 - A)),
         jnp.zeros((48,), jnp.float32)]).reshape(1, 128)
    anc52 = np.pad(_anchor_planes(H, W).reshape(H, W, 64),
                   ((0, 2), (0, 2), (0, 0))).reshape(P, 64)
    ancp = jnp.asarray(anc52)

    head = pl.pallas_call(
        _head_kernel,
        grid=(B,),
        in_specs=[
            pl.BlockSpec((P, C), lambda bb: (bb, 0)),
            pl.BlockSpec((9 * C, C), lambda bb: (0, 0)),
            pl.BlockSpec((1, C), lambda bb: (0, 0)),
            pl.BlockSpec((C, 128), lambda bb: (0, 0)),
            pl.BlockSpec((1, 128), lambda bb: (0, 0)),
            pl.BlockSpec((P, 64), lambda bb: (0, 0)),
        ],
        out_specs=pl.BlockSpec((P, 128), lambda bb: (bb, 0)),
        out_shape=jax.ShapeDtypeStruct((B * P, 128), jnp.float32),
        scratch_shapes=[pltpu.VMEM((P, C), jnp.float32)],
    )(xflat, w1mat, b1r, wcr, bcr, ancp)

    head = head.reshape(B, Hp, Wp, 128)[:, :H, :W].reshape(B, HW, 128)
    boxes = jnp.stack([head[..., 0:A], head[..., 16:16 + A],
                       head[..., 32:32 + A], head[..., 48:48 + A]],
                      axis=-1).reshape(B, HW * A, 4)
    logits = head[..., 64:64 + A].reshape(B, HW * A)
    scores = jnp.where(logits > _NEG / 2, jax.nn.sigmoid(logits), _NEG)

    top_s, top_i = jax.lax.top_k(scores, _PRE)
    top_b = jnp.take_along_axis(boxes, top_i[..., None], axis=1)

    bp = jnp.pad(top_b, ((0, 0), (0, _NMS_N - _PRE), (0, 0)))
    boxes_r = bp.reshape(B * _NMS_N, 4)
    boxes_t = jnp.pad(jnp.transpose(bp, (0, 2, 1)),
                      ((0, 0), (0, 4), (0, 0))).reshape(B * 8, _NMS_N)
    keep = pl.pallas_call(
        _nms_kernel,
        grid=(B,),
        in_specs=[
            pl.BlockSpec((_NMS_N, 4), lambda bb: (bb, 0)),
            pl.BlockSpec((8, _NMS_N), lambda bb: (bb, 0)),
        ],
        out_specs=pl.BlockSpec((8, _NMS_N), lambda bb: (bb, 0)),
        out_shape=jax.ShapeDtypeStruct((B * 8, _NMS_N), jnp.float32),
        scratch_shapes=[
            pltpu.VMEM((8, _NMS_N), jnp.float32),
            pltpu.VMEM((_NMS_T, _NMS_T), jnp.float32),
        ],
    )(boxes_r, boxes_t)
    keep = keep.reshape(B, 8, _NMS_N)[:, 0, :_PRE] > 0.5

    kept_s = jnp.where(keep, top_s, _NEG)
    f_s, f_i = jax.lax.top_k(kept_s, _POST)
    f_b = jnp.take_along_axis(top_b, f_i[..., None], axis=1)
    mask = f_s > _NEG / 2
    out_boxes = jnp.where(mask[..., None], f_b, 0.0)
    out_scores = jnp.where(mask, f_s, 0.0)
    return out_boxes, out_scores

# --- scband reference (transcript-rebuilt; emitter-appended) ---
"""Pipeline reference for scband-rpn-40321152975414 (READ-ONLY COPY).

The authoritative reference and input builder live on the scoring server;
editing this copy changes nothing except your own understanding.
"""

import jax, jax.numpy as jnp
import numpy as np
import math

STRIDE = 16
IMG_SIZE = 800.0
PRE_NMS_TOP_N = 2000
POST_NMS_TOP_N = 1000
NMS_THRESH = 0.7
MIN_SIZE = 1e-3
NEG_INF = -1e9


def _cell_anchors():
    scales = np.array([128.0, 256.0, 512.0])
    ratios = np.array([0.5, 1.0, 2.0])
    h_r = np.sqrt(ratios)
    w_r = 1.0 / h_r
    ws = (w_r[:, None] * scales[None, :]).reshape(-1)
    hs = (h_r[:, None] * scales[None, :]).reshape(-1)
    return np.stack([-ws, -hs, ws, hs], axis=1) / 2.0


def _grid_anchors(H, W):
    base = _cell_anchors()
    sx = np.arange(W) * STRIDE
    sy = np.arange(H) * STRIDE
    yy, xx = np.meshgrid(sy, sx, indexing='ij')
    shifts = np.stack([xx, yy, xx, yy], axis=-1).reshape(-1, 4).astype(np.float32)
    anchors = (shifts[:, None, :] + base[None, :, :]).reshape(-1, 4)
    return jnp.asarray(anchors, jnp.float32)


def _decode(deltas, anchors):
    wa = anchors[:, 2] - anchors[:, 0]
    ha = anchors[:, 3] - anchors[:, 1]
    cxa = anchors[:, 0] + 0.5 * wa
    cya = anchors[:, 1] + 0.5 * ha
    dx, dy, dw, dh = deltas[..., 0], deltas[..., 1], deltas[..., 2], deltas[..., 3]
    bbox_clip = math.log(1000.0 / 16.0)
    dw = jnp.minimum(dw, bbox_clip)
    dh = jnp.minimum(dh, bbox_clip)
    cx = dx * wa + cxa
    cy = dy * ha + cya
    w = jnp.exp(dw) * wa
    h = jnp.exp(dh) * ha
    boxes = jnp.stack([cx - 0.5 * w, cy - 0.5 * h, cx + 0.5 * w, cy + 0.5 * h], axis=-1)
    return jnp.clip(boxes, 0.0, IMG_SIZE)


def _box_iou(a, b):
    area_a = (a[:, 2] - a[:, 0]) * (a[:, 3] - a[:, 1])
    area_b = (b[:, 2] - b[:, 0]) * (b[:, 3] - b[:, 1])
    lt = jnp.maximum(a[:, None, :2], b[None, :, :2])
    rb = jnp.minimum(a[:, None, 2:], b[None, :, 2:])
    wh = jnp.clip(rb - lt, 0.0, None)
    inter = wh[..., 0] * wh[..., 1]
    return inter / (area_a[:, None] + area_b[None, :] - inter + 1e-9)


def _nms_keep(boxes):
    n = boxes.shape[0]
    iou = _box_iou(boxes, boxes)
    idxs = jnp.arange(n)
    def body(i, keep):
        sup = (iou[i] > NMS_THRESH) & (idxs > i) & keep[i]
        return keep & (~sup)
    return jax.lax.fori_loop(0, n, body, jnp.ones((n,), dtype=bool))


def setup_inputs(seed: int = 0):
    key = jax.random.key(seed)
    ks = jax.random.split(key, 4)
    features = jax.random.normal(ks[0], (2, 256, 50, 50), dtype=jnp.float32)
    W1 = jax.random.normal(ks[1], (256, 256, 3, 3), dtype=jnp.float32) * 0.02
    b1 = jnp.zeros((256,), dtype=jnp.float32)
    Wc = jax.random.normal(ks[2], (9, 256, 1, 1), dtype=jnp.float32) * 0.02
    bc = jnp.zeros((9,), dtype=jnp.float32)
    Wr = jax.random.normal(ks[3], (36, 256, 1, 1), dtype=jnp.float32) * 0.02
    br = jnp.zeros((36,), dtype=jnp.float32)
    return {"features": features, "W1": W1, "b1": b1, "Wc": Wc, "bc": bc, "Wr": Wr, "br": br}


def reference(features, W1, b1, Wc, bc, Wr, br):
    B, C, H, W = features.shape
    dn = ('NCHW', 'OIHW', 'NCHW')
    t = jax.lax.conv_general_dilated(features, W1, (1, 1), 'SAME', dimension_numbers=dn)
    t = jax.nn.relu(t + b1[None, :, None, None])
    obj = jax.lax.conv_general_dilated(t, Wc, (1, 1), 'SAME', dimension_numbers=dn) + bc[None, :, None, None]
    reg = jax.lax.conv_general_dilated(t, Wr, (1, 1), 'SAME', dimension_numbers=dn) + br[None, :, None, None]
    A = obj.shape[1]
    obj = obj.transpose(0, 2, 3, 1).reshape(B, -1)
    reg = reg.reshape(B, A, 4, H, W).transpose(0, 3, 4, 1, 2).reshape(B, -1, 4)
    anchors = _grid_anchors(H, W)
    boxes = _decode(reg, anchors)
    scores = jax.nn.sigmoid(obj)
    ws = boxes[..., 2] - boxes[..., 0]
    hs = boxes[..., 3] - boxes[..., 1]
    valid = (ws >= MIN_SIZE) & (hs >= MIN_SIZE)
    scores = jnp.where(valid, scores, NEG_INF)
    top_s, top_i = jax.lax.top_k(scores, PRE_NMS_TOP_N)
    top_b = jnp.take_along_axis(boxes, top_i[..., None], axis=1)
    keep = jax.vmap(_nms_keep)(top_b)
    kept_s = jnp.where(keep, top_s, NEG_INF)
    f_s, f_i = jax.lax.top_k(kept_s, POST_NMS_TOP_N)
    f_b = jnp.take_along_axis(top_b, f_i[..., None], axis=1)
    mask = f_s > (NEG_INF / 2)
    out_boxes = jnp.where(mask[..., None], f_b, 0.0)
    out_scores = jnp.where(mask, f_s, 0.0)
    return out_boxes, out_scores

if __name__ == "__main__":
    import jax
    _d = setup_inputs()
    print(jax.jit(kernel)(*tuple(_d.values())))

</pallas_src>

<mosaic_0001>
module attributes {stable_mosaic.version = 14 : i64} {
  func.func @_head_kernel(%arg0: i32, %arg1: memref<2704x256xf32, #tpu.memory_space<vmem>>, %arg2: memref<2304x256xf32, #tpu.memory_space<vmem>>, %arg3: memref<1x256xf32, #tpu.memory_space<vmem>>, %arg4: memref<256x128xf32, #tpu.memory_space<vmem>>, %arg5: memref<1x128xf32, #tpu.memory_space<vmem>>, %arg6: memref<2704x64xf32, #tpu.memory_space<vmem>>, %arg7: memref<2704x128xf32, #tpu.memory_space<vmem>>, %arg8: memref<2704x256xf32, #tpu.memory_space<vmem>>) attributes {dimension_semantics = [#tpu.dimension_semantics<arbitrary>], iteration_bounds = array<i64: 2>, scalar_prefetch = 0 : i64, scratch_operands = 1 : i64, tpu.core_type = #tpu.core_type<tc>, window_params = [{transform_indices = @transform_0, window_bounds = array<i64: 2704, 256>}, {pipeline_mode = #tpu.pipeline_mode<synchronous>, transform_indices = @transform_1, window_bounds = array<i64: 2304, 256>}, {pipeline_mode = #tpu.pipeline_mode<synchronous>, transform_indices = @transform_2, window_bounds = array<i64: 1, 256>}, {pipeline_mode = #tpu.pipeline_mode<synchronous>, transform_indices = @transform_3, window_bounds = array<i64: 256, 128>}, {pipeline_mode = #tpu.pipeline_mode<synchronous>, transform_indices = @transform_4, window_bounds = array<i64: 1, 128>}, {pipeline_mode = #tpu.pipeline_mode<synchronous>, transform_indices = @transform_5, window_bounds = array<i64: 2704, 64>}, {transform_indices = @transform_6, window_bounds = array<i64: 2704, 128>}]} {
    %broadcast_in_dim3A = arith.constant 0.000000e+00 : f32
    %broadcast_in_dim3A_0 = vector.broadcast %broadcast_in_dim3A : f32 to vector<2704x256xf32>
    %swap3A = arith.constant 0 : index
    %swap3A_1 = arith.constant 0 : index
    %swap3A_2 = vector.load %arg8[%swap3A, %swap3A_1] : memref<2704x256xf32, #tpu.memory_space<vmem>>, vector<2704x256xf32>
    tpu.vector_store %arg8[%swap3A, %swap3A_1], %broadcast_in_dim3A_0 {strides = array<i32>} : memref<2704x256xf32, #tpu.memory_space<vmem>>, vector<2704x256xf32>,
    %get3A = arith.constant 0 : index
    %get3A_3 = arith.constant 0 : index
    %get3A_4 = vector.load %arg1[%get3A, %get3A_3] : memref<2704x256xf32, #tpu.memory_space<vmem>>, vector<2704x256xf32>
    %convert_element_type3A = arith.truncf %get3A_4 : vector<2704x256xf32> to vector<2704x256xbf16>
    %get3A_5 = arith.constant 0 : index
    %get3A_6 = arith.constant 0 : index
    %get3A_7 = vector.load %arg2[%get3A_5, %get3A_6] : memref<2304x256xf32, #tpu.memory_space<vmem>>, vector<256x256xf32>
    %convert_element_type3A_8 = arith.truncf %get3A_7 : vector<256x256xf32> to vector<256x256xbf16>
    %get3A_9 = arith.constant 0 : index
    %get3A_10 = arith.constant 0 : index
    %get3A_11 = vector.load %arg8[%get3A_9, %get3A_10] : memref<2704x256xf32, #tpu.memory_space<vmem>>, vector<2704x256xf32>
    %dot_general3A = arith.constant dense<0.000000e+00> : vector<2704x256xf32>
    %dot_general3A_12 = tpu.matmul %convert_element_type3A, %convert_element_type3A_8, %dot_general3A {dimension_numbers = #tpu.dot_dimension_numbers<[1], [0], [0], [1], [0, 0, 1, 1], [], []>, transpose_lhs_hint = false} : vector<2704x256xbf16>, vector<256x256xbf16>, vector<2704x256xf32> -> vector<2704x256xf32>
    %add3A = arith.addf %get3A_11, %dot_general3A_12 : vector<2704x256xf32>
    %swap3A_13 = arith.constant 0 : index
    %swap3A_14 = arith.constant 0 : index
    %swap3A_15 = vector.load %arg8[%swap3A_13, %swap3A_14] : memref<2704x256xf32, #tpu.memory_space<vmem>>, vector<2704x256xf32>
    tpu.vector_store %arg8[%swap3A_13, %swap3A_14], %add3A {strides = array<i32>} : memref<2704x256xf32, #tpu.memory_space<vmem>>, vector<2704x256xf32>,
    %get3A_16 = arith.constant 1 : index
    %get3A_17 = arith.constant 0 : index
    %get3A_18 = vector.load %arg1[%get3A_16, %get3A_17] : memref<2704x256xf32, #tpu.memory_space<vmem>>, vector<2703x256xf32>
    %convert_element_type3A_19 = arith.truncf %get3A_18 : vector<2703x256xf32> to vector<2703x256xbf16>
    %get3A_20 = arith.constant 256 : index
    %get3A_21 = arith.constant 0 : index
    %get3A_22 = vector.load %arg2[%get3A_20, %get3A_21] : memref<2304x256xf32, #tpu.memory_space<vmem>>, vector<256x256xf32>
    %convert_element_type3A_23 = arith.truncf %get3A_22 : vector<256x256xf32> to vector<256x256xbf16>
    %get3A_24 = arith.constant 0 : index
    %get3A_25 = arith.constant 0 : index
    %get3A_26 = vector.load %arg8[%get3A_24, %get3A_25] : memref<2704x256xf32, #tpu.memory_space<vmem>>, vector<2703x256xf32>
    %dot_general3A_27 = arith.constant dense<0.000000e+00> : vector<2703x256xf32>
    %dot_general3A_28 = tpu.matmul %convert_element_type3A_19, %convert_element_type3A_23, %dot_general3A_27 {dimension_numbers = #tpu.dot_dimension_numbers<[1], [0], [0], [1], [0, 0, 1, 1], [], []>, transpose_lhs_hint = false} : vector<2703x256xbf16>, vector<256x256xbf16>, vector<2703x256xf32> -> vector<2703x256xf32>
    %add3A_29 = arith.addf %get3A_26, %dot_general3A_28 : vector<2703x256xf32>
    %swap3A_30 = arith.constant 0 : index
    %swap3A_31 = arith.constant 0 : index
    %swap3A_32 = vector.load %arg8[%swap3A_30, %swap3A_31] : memref<2704x256xf32, #tpu.memory_space<vmem>>, vector<2703x256xf32>
    tpu.vector_store %arg8[%swap3A_30, %swap3A_31], %add3A_29 {strides = array<i32>} : memref<2704x256xf32, #tpu.memory_space<vmem>>, vector<2703x256xf32>,
    %get3A_33 = arith.constant 2 : index
    %get3A_34 = arith.constant 0 : index
    %get3A_35 = vector.load %arg1[%get3A_33, %get3A_34] : memref<2704x256xf32, #tpu.memory_space<vmem>>, vector<2702x256xf32>
    %convert_element_type3A_36 = arith.truncf %get3A_35 : vector<2702x256xf32> to vector<2702x256xbf16>
    %get3A_37 = arith.constant 512 : index
    %get3A_38 = arith.constant 0 : index
    %get3A_39 = vector.load %arg2[%get3A_37, %get3A_38] : memref<2304x256xf32, #tpu.memory_space<vmem>>, vector<256x256xf32>
    %convert_element_type3A_40 = arith.truncf %get3A_39 : vector<256x256xf32> to vector<256x256xbf16>
    %get3A_41 = arith.constant 0 : index
    %get3A_42 = arith.constant 0 : index
    %get3A_43 = vector.load %arg8[%get3A_41, %get3A_42] : memref<2704x256xf32, #tpu.memory_space<vmem>>, vector<2702x256xf32>
    %dot_general3A_44 = arith.constant dense<0.000000e+00> : vector<2702x256xf32>
    %dot_general3A_45 = tpu.matmul %convert_element_type3A_36, %convert_element_type3A_40, %dot_general3A_44 {dimension_numbers = #tpu.dot_dimension_numbers<[1], [0], [0], [1], [0, 0, 1, 1], [], []>, transpose_lhs_hint = false} : vector<2702x256xbf16>, vector<256x256xbf16>, vector<2702x256xf32> -> vector<2702x256xf32>
    %add3A_46 = arith.addf %get3A_43, %dot_general3A_45 : vector<2702x256xf32>
    %swap3A_47 = arith.constant 0 : index
    %swap3A_48 = arith.constant 0 : index
    %swap3A_49 = vector.load %arg8[%swap3A_47, %swap3A_48] : memref<2704x256xf32, #tpu.memory_space<vmem>>, vector<2702x256xf32>
    tpu.vector_store %arg8[%swap3A_47, %swap3A_48], %add3A_46 {strides = array<i32>} : memref<2704x256xf32, #tpu.memory_space<vmem>>, vector<2702x256xf32>,
    %get3A_50 = arith.constant 52 : index
    %get3A_51 = arith.constant 0 : index
    %get3A_52 = vector.load %arg1[%get3A_50, %get3A_51] : memref<2704x256xf32, #tpu.memory_space<vmem>>, vector<2652x256xf32>
    %convert_element_type3A_53 = arith.truncf %get3A_52 : vector<2652x256xf32> to vector<2652x256xbf16>
    %get3A_54 = arith.constant 768 : index
    %get3A_55 = arith.constant 0 : index
    %get3A_56 = vector.load %arg2[%get3A_54, %get3A_55] : memref<2304x256xf32, #tpu.memory_space<vmem>>, vector<256x256xf32>
    %convert_element_type3A_57 = arith.truncf %get3A_56 : vector<256x256xf32> to vector<256x256xbf16>
    %get3A_58 = arith.constant 0 : index
    %get3A_59 = arith.constant 0 : index
    %get3A_60 = vector.load %arg8[%get3A_58, %get3A_59] : memref<2704x256xf32, #tpu.memory_space<vmem>>, vector<2652x256xf32>
    %dot_general3A_61 = arith.constant dense<0.000000e+00> : vector<2652x256xf32>
    %dot_general3A_62 = tpu.matmul %convert_element_type3A_53, %convert_element_type3A_57, %dot_general3A_61 {dimension_numbers = #tpu.dot_dimension_numbers<[1], [0], [0], [1], [0, 0, 1, 1], [], []>, transpose_lhs_hint = false} : vector<2652x256xbf16>, vector<256x256xbf16>, vector<2652x256xf32> -> vector<2652x256xf32>
    %add3A_63 = arith.addf %get3A_60, %dot_general3A_62 : vector<2652x256xf32>
    %swap3A_64 = arith.constant 0 : index
    %swap3A_65 = arith.constant 0 : index
    %swap3A_66 = vector.load %arg8[%swap3A_64, %swap3A_65] : memref<2704x256xf32, #tpu.memory_space<vmem>>, vector<2652x256xf32>
    tpu.vector_store %arg8[%swap3A_64, %swap3A_65], %add3A_63 {strides = array<i32>} : memref<2704x256xf32, #tpu.memory_space<vmem>>, vector<2652x256xf32>,
    %get3A_67 = arith.constant 53 : index
    %get3A_68 = arith.constant 0 : index
    %get3A_69 = vector.load %arg1[%get3A_67, %get3A_68] : memref<2704x256xf32, #tpu.memory_space<vmem>>, vector<2651x256xf32>
    %convert_element_type3A_70 = arith.truncf %get3A_69 : vector<2651x256xf32> to vector<2651x256xbf16>
    %get3A_71 = arith.constant 1024 : index
    %get3A_72 = arith.constant 0 : index
    %get3A_73 = vector.load %arg2[%get3A_71, %get3A_72] : memref<2304x256xf32, #tpu.memory_space<vmem>>, vector<256x256xf32>
    %convert_element_type3A_74 = arith.truncf %get3A_73 : vector<256x256xf32> to vector<256x256xbf16>
    %get3A_75 = arith.constant 0 : index
    %get3A_76 = arith.constant 0 : index
    %get3A_77 = vector.load %arg8[%get3A_75, %get3A_76] : memref<2704x256xf32, #tpu.memory_space<vmem>>, vector<2651x256xf32>
    %dot_general3A_78 = arith.constant dense<0.000000e+00> : vector<2651x256xf32>
    %dot_general3A_79 = tpu.matmul %convert_element_type3A_70, %convert_element_type3A_74, %dot_general3A_78 {dimension_numbers = #tpu.dot_dimension_numbers<[1], [0], [0], [1], [0, 0, 1, 1], [], []>, transpose_lhs_hint = false} : vector<2651x256xbf16>, vector<256x256xbf16>, vector<2651x256xf32> -> vector<2651x256xf32>
    %add3A_80 = arith.addf %get3A_77, %dot_general3A_79 : vector<2651x256xf32>
    %swap3A_81 = arith.constant 0 : index
    %swap3A_82 = arith.constant 0 : index
    %swap3A_83 = vector.load %arg8[%swap3A_81, %swap3A_82] : memref<2704x256xf32, #tpu.memory_space<vmem>>, vector<2651x256xf32>
    tpu.vector_store %arg8[%swap3A_81, %swap3A_82], %add3A_80 {strides = array<i32>} : memref<2704x256xf32, #tpu.memory_space<vmem>>, vector<2651x256xf32>,
    %get3A_84 = arith.constant 54 : index
    %get3A_85 = arith.constant 0 : index
    %get3A_86 = vector.load %arg1[%get3A_84, %get3A_85] : memref<2704x256xf32, #tpu.memory_space<vmem>>, vector<2650x256xf32>
    %convert_element_type3A_87 = arith.truncf %get3A_86 : vector<2650x256xf32> to vector<2650x256xbf16>
    %get3A_88 = arith.constant 1280 : index
    %get3A_89 = arith.constant 0 : index
    %get3A_90 = vector.load %arg2[%get3A_88, %get3A_89] : memref<2304x256xf32, #tpu.memory_space<vmem>>, vector<256x256xf32>
    %convert_element_type3A_91 = arith.truncf %get3A_90 : vector<256x256xf32> to vector<256x256xbf16>
    %get3A_92 = arith.constant 0 : index
    %get3A_93 = arith.constant 0 : index
    %get3A_94 = vector.load %arg8[%get3A_92, %get3A_93] : memref<2704x256xf32, #tpu.memory_space<vmem>>, vector<2650x256xf32>
    %dot_general3A_95 = arith.constant dense<0.000000e+00> : vector<2650x256xf32>
    %dot_general3A_96 = tpu.matmul %convert_element_type3A_87, %convert_element_type3A_91, %dot_general3A_95 {dimension_numbers = #tpu.dot_dimension_numbers<[1], [0], [0], [1], [0, 0, 1, 1], [], []>, transpose_lhs_hint = false} : vector<2650x256xbf16>, vector<256x256xbf16>, vector<2650x256xf32> -> vector<2650x256xf32>
    %add3A_97 = arith.addf %get3A_94, %dot_general3A_96 : vector<2650x256xf32>
    %swap3A_98 = arith.constant 0 : index
    %swap3A_99 = arith.constant 0 : index
    %swap3A_100 = vector.load %arg8[%swap3A_98, %swap3A_99] : memref<2704x256xf32, #tpu.memory_space<vmem>>, vector<2650x256xf32>
    tpu.vector_store %arg8[%swap3A_98, %swap3A_99], %add3A_97 {strides = array<i32>} : memref<2704x256xf32, #tpu.memory_space<vmem>>, vector<2650x256xf32>,
    %get3A_101 = arith.constant 104 : index
    %get3A_102 = arith.constant 0 : index
    %get3A_103 = vector.load %arg1[%get3A_101, %get3A_102] : memref<2704x256xf32, #tpu.memory_space<vmem>>, vector<2600x256xf32>
    %convert_element_type3A_104 = arith.truncf %get3A_103 : vector<2600x256xf32> to vector<2600x256xbf16>
    %get3A_105 = arith.constant 1536 : index
    %get3A_106 = arith.constant 0 : index
    %get3A_107 = vector.load %arg2[%get3A_105, %get3A_106] : memref<2304x256xf32, #tpu.memory_space<vmem>>, vector<256x256xf32>
    %convert_element_type3A_108 = arith.truncf %get3A_107 : vector<256x256xf32> to vector<256x256xbf16>
    %get3A_109 = arith.constant 0 : index
    %get3A_110 = arith.constant 0 : index
    %get3A_111 = vector.load %arg8[%get3A_109, %get3A_110] : memref<2704x256xf32, #tpu.memory_space<vmem>>, vector<2600x256xf32>
    %dot_general3A_112 = arith.constant dense<0.000000e+00> : vector<2600x256xf32>
    %dot_general3A_113 = tpu.matmul %convert_element_type3A_104, %convert_element_type3A_108, %dot_general3A_112 {dimension_numbers = #tpu.dot_dimension_numbers<[1], [0], [0], [1], [0, 0, 1, 1], [], []>, transpose_lhs_hint = false} : vector<2600x256xbf16>, vector<256x256xbf16>, vector<2600x256xf32> -> vector<2600x256xf32>
    %add3A_114 = arith.addf %get3A_111, %dot_general3A_113 : vector<2600x256xf32>
    %swap3A_115 = arith.constant 0 : index
    %swap3A_116 = arith.constant 0 : index
    %swap3A_117 = vector.load %arg8[%swap3A_115, %swap3A_116] : memref<2704x256xf32, #tpu.memory_space<vmem>>, vector<2600x256xf32>
    tpu.vector_store %arg8[%swap3A_115, %swap3A_116], %add3A_114 {strides = array<i32>} : memref<2704x256xf32, #tpu.memory_space<vmem>>, vector<2600x256xf32>,
    %get3A_118 = arith.constant 105 : index
    %get3A_119 = arith.constant 0 : index
    %get3A_120 = vector.load %arg1[%get3A_118, %get3A_119] : memref<2704x256xf32, #tpu.memory_space<vmem>>, vector<2599x256xf32>
    %convert_element_type3A_121 = arith.truncf %get3A_120 : vector<2599x256xf32> to vector<2599x256xbf16>
    %get3A_122 = arith.constant 1792 : index
    %get3A_123 = arith.constant 0 : index
    %get3A_124 = vector.load %arg2[%get3A_122, %get3A_123] : memref<2304x256xf32, #tpu.memory_space<vmem>>, vector<256x256xf32>
    %convert_element_type3A_125 = arith.truncf %get3A_124 : vector<256x256xf32> to vector<256x256xbf16>
    %get3A_126 = arith.constant 0 : index
    %get3A_127 = arith.constant 0 : index
    %get3A_128 = vector.load %arg8[%get3A_126, %get3A_127] : memref<2704x256xf32, #tpu.memory_space<vmem>>, vector<2599x256xf32>
    %dot_general3A_129 = arith.constant dense<0.000000e+00> : vector<2599x256xf32>
    %dot_general3A_130 = tpu.matmul %convert_element_type3A_121, %convert_element_type3A_125, %dot_general3A_129 {dimension_numbers = #tpu.dot_dimension_numbers<[1], [0], [0], [1], [0, 0, 1, 1], [], []>, transpose_lhs_hint = false} : vector<2599x256xbf16>, vector<256x256xbf16>, vector<2599x256xf32> -> vector<2599x256xf32>
    %add3A_131 = arith.addf %get3A_128, %dot_general3A_130 : vector<2599x256xf32>
    %swap3A_132 = arith.constant 0 : index
    %swap3A_133 = arith.constant 0 : index
    %swap3A_134 = vector.load %arg8[%swap3A_132, %swap3A_133] : memref<2704x256xf32, #tpu.memory_space<vmem>>, vector<2599x256xf32>
    tpu.vector_store %arg8[%swap3A_132, %swap3A_133], %add3A_131 {strides = array<i32>} : memref<2704x256xf32, #tpu.memory_space<vmem>>, vector<2599x256xf32>,
    %get3A_135 = arith.constant 106 : index
    %get3A_136 = arith.constant 0 : index
    %get3A_137 = vector.load %arg1[%get3A_135, %get3A_136] : memref<2704x256xf32, #tpu.memory_space<vmem>>, vector<2598x256xf32>
    %convert_element_type3A_138 = arith.truncf %get3A_137 : vector<2598x256xf32> to vector<2598x256xbf16>
    %get3A_139 = arith.constant 2048 : index
    %get3A_140 = arith.constant 0 : index
    %get3A_141 = vector.load %arg2[%get3A_139, %get3A_140] : memref<2304x256xf32, #tpu.memory_space<vmem>>, vector<256x256xf32>
    %convert_element_type3A_142 = arith.truncf %get3A_141 : vector<256x256xf32> to vector<256x256xbf16>
    %get3A_143 = arith.constant 0 : index
    %get3A_144 = arith.constant 0 : index
    %get3A_145 = vector.load %arg8[%get3A_143, %get3A_144] : memref<2704x256xf32, #tpu.memory_space<vmem>>, vector<2598x256xf32>
    %dot_general3A_146 = arith.constant dense<0.000000e+00> : vector<2598x256xf32>
    %dot_general3A_147 = tpu.matmul %convert_element_type3A_138, %convert_element_type3A_142, %dot_general3A_146 {dimension_numbers = #tpu.dot_dimension_numbers<[1], [0], [0], [1], [0, 0, 1, 1], [], []>, transpose_lhs_hint = false} : vector<2598x256xbf16>, vector<256x256xbf16>, vector<2598x256xf32> -> vector<2598x256xf32>
    %add3A_148 = arith.addf %get3A_145, %dot_general3A_147 : vector<2598x256xf32>
    %swap3A_149 = arith.constant 0 : index
    %swap3A_150 = arith.constant 0 : index
    %swap3A_151 = vector.load %arg8[%swap3A_149, %swap3A_150] : memref<2704x256xf32, #tpu.memory_space<vmem>>, vector<2598x256xf32>
    tpu.vector_store %arg8[%swap3A_149, %swap3A_150], %add3A_148 {strides = array<i32>} : memref<2704x256xf32, #tpu.memory_space<vmem>>, vector<2598x256xf32>,
    %get3A_152 = arith.constant 0 : index
    %get3A_153 = arith.constant 0 : index
    %get3A_154 = vector.load %arg8[%get3A_152, %get3A_153] : memref<2704x256xf32, #tpu.memory_space<vmem>>, vector<2704x256xf32>
    %get3A_155 = arith.constant 0 : index
    %get3A_156 = arith.constant 0 : index
    %get3A_157 = vector.load %arg3[%get3A_155, %get3A_156] : memref<1x256xf32, #tpu.memory_space<vmem>>, vector<1x256xf32>
    %add3A_158 = vector.broadcast %get3A_157 : vector<1x256xf32> to vector<2704x256xf32>
    %add3A_159 = arith.addf %get3A_154, %add3A_158 : vector<2704x256xf32>
    %max3A = arith.constant 0.000000e+00 : f32
    %max3A_160 = vector.broadcast %max3A : f32 to vector<2704x256xf32>
    %max3A_161 = arith.maximumf %add3A_159, %max3A_160 : vector<2704x256xf32>
    %convert_element_type3A_162 = arith.truncf %max3A_161 : vector<2704x256xf32> to vector<2704x256xbf16>
    %get3A_163 = arith.constant 0 : index
    %get3A_164 = arith.constant 0 : index
    %get3A_165 = vector.load %arg4[%get3A_163, %get3A_164] : memref<256x128xf32, #tpu.memory_space<vmem>>, vector<256x128xf32>
    %convert_element_type3A_166 = arith.truncf %get3A_165 : vector<256x128xf32> to vector<256x128xbf16>
    %dot_general3A_167 = arith.constant dense<0.000000e+00> : vector<2704x128xf32>
    %dot_general3A_168 = tpu.matmul %convert_element_type3A_162, %convert_element_type3A_166, %dot_general3A_167 {dimension_numbers = #tpu.dot_dimension_numbers<[1], [0], [0], [1], [0, 0, 1, 1], [], []>, transpose_lhs_hint = false} : vector<2704x256xbf16>, vector<256x128xbf16>, vector<2704x128xf32> -> vector<2704x128xf32>
    %get3A_169 = arith.constant 0 : index
    %get3A_170 = arith.constant 0 : index
    %get3A_171 = vector.load %arg5[%get3A_169, %get3A_170] : memref<1x128xf32, #tpu.memory_space<vmem>>, vector<1x128xf32>
    %add3A_172 = vector.broadcast %get3A_171 : vector<1x128xf32> to vector<2704x128xf32>
    %add3A_173 = arith.addf %dot_general3A_168, %add3A_172 : vector<2704x128xf32>
    %slice3A = vector.extract_strided_slice %add3A_173 {offsets = [0, 0], sizes = [2704, 16], strides = [1, 1]} : vector<2704x128xf32> to vector<2704x16xf32>
    %slice3A_174 = vector.extract_strided_slice %add3A_173 {offsets = [0, 16], sizes = [2704, 16], strides = [1, 1]} : vector<2704x128xf32> to vector<2704x16xf32>
    %slice3A_175 = vector.extract_strided_slice %add3A_173 {offsets = [0, 32], sizes = [2704, 16], strides = [1, 1]} : vector<2704x128xf32> to vector<2704x16xf32>
    %min3A = arith.constant 4.13516665 : f32
    %min3A_176 = vector.broadcast %min3A : f32 to vector<2704x16xf32>
    %min3A_177 = arith.minimumf %slice3A_175, %min3A_176 : vector<2704x16xf32>
    %slice3A_178 = vector.extract_strided_slice %add3A_173 {offsets = [0, 48], sizes = [2704, 16], strides = [1, 1]} : vector<2704x128xf32> to vector<2704x16xf32>
    %min3A_179 = arith.constant 4.13516665 : f32
    %min3A_180 = vector.broadcast %min3A_179 : f32 to vector<2704x16xf32>
    %min3A_181 = arith.minimumf %slice3A_178, %min3A_180 : vector<2704x16xf32>
    %slice3A_182 = vector.extract_strided_slice %add3A_173 {offsets = [0, 64], sizes = [2704, 16], strides = [1, 1]} : vector<2704x128xf32> to vector<2704x16xf32>
    %get3A_183 = arith.constant 0 : index
    %get3A_184 = arith.constant 0 : index
    %get3A_185 = vector.load %arg6[%get3A_183, %get3A_184] : memref<2704x64xf32, #tpu.memory_space<vmem>>, vector<2704x64xf32>
    %slice3A_186 = vector.extract_strided_slice %get3A_185 {offsets = [0, 0], sizes = [2704, 16], strides = [1, 1]} : vector<2704x64xf32> to vector<2704x16xf32>
    %slice3A_187 = vector.extract_strided_slice %get3A_185 {offsets = [0, 16], sizes = [2704, 16], strides = [1, 1]} : vector<2704x64xf32> to vector<2704x16xf32>
    %slice3A_188 = vector.extract_strided_slice %get3A_185 {offsets = [0, 32], sizes = [2704, 16], strides = [1, 1]} : vector<2704x64xf32> to vector<2704x16xf32>
    %slice3A_189 = vector.extract_strided_slice %get3A_185 {offsets = [0, 48], sizes = [2704, 16], strides = [1, 1]} : vector<2704x64xf32> to vector<2704x16xf32>
    %mul3A = arith.mulf %slice3A, %slice3A_186 : vector<2704x16xf32>
    %add3A_190 = arith.addf %mul3A, %slice3A_188 : vector<2704x16xf32>
    %mul3A_191 = arith.mulf %slice3A_174, %slice3A_187 : vector<2704x16xf32>
    %add3A_192 = arith.addf %mul3A_191, %slice3A_189 : vector<2704x16xf32>
    %exp3A = math.exp %min3A_177 : vector<2704x16xf32>
    %mul3A_193 = arith.mulf %exp3A, %slice3A_186 : vector<2704x16xf32>
    %exp3A_194 = math.exp %min3A_181 : vector<2704x16xf32>
    %mul3A_195 = arith.mulf %exp3A_194, %slice3A_187 : vector<2704x16xf32>
    %mul3A_196 = arith.constant 5.000000e-01 : f32
    %mul3A_197 = vector.broadcast %mul3A_196 : f32 to vector<2704x16xf32>
    %mul3A_198 = arith.mulf %mul3A_197, %mul3A_193 : vector<2704x16xf32>
    %sub3A = arith.subf %add3A_190, %mul3A_198 : vector<2704x16xf32>
    %jit3A = arith.constant 0.000000e+00 : f32
    %jit3A_199 = arith.constant 8.000000e+02 : f32
    %max3A_200 = vector.broadcast %jit3A : f32 to vector<2704x16xf32>
    %max3A_201 = arith.maximumf %max3A_200, %sub3A : vector<2704x16xf32>
    %min3A_202 = vector.broadcast %jit3A_199 : f32 to vector<2704x16xf32>
    %min3A_203 = arith.minimumf %min3A_202, %max3A_201 : vector<2704x16xf32>
    %mul3A_204 = arith.constant 5.000000e-01 : f32
    %mul3A_205 = vector.broadcast %mul3A_204 : f32 to vector<2704x16xf32>
    %mul3A_206 = arith.mulf %mul3A_205, %mul3A_195 : vector<2704x16xf32>
    %sub3A_207 = arith.subf %add3A_192, %mul3A_206 : vector<2704x16xf32>
    %jit3A_208 = arith.constant 0.000000e+00 : f32
    %jit3A_209 = arith.constant 8.000000e+02 : f32
    %max3A_210 = vector.broadcast %jit3A_208 : f32 to vector<2704x16xf32>
    %max3A_211 = arith.maximumf %max3A_210, %sub3A_207 : vector<2704x16xf32>
    %min3A_212 = vector.broadcast %jit3A_209 : f32 to vector<2704x16xf32>
    %min3A_213 = arith.minimumf %min3A_212, %max3A_211 : vector<2704x16xf32>
    %mul3A_214 = arith.constant 5.000000e-01 : f32
    %mul3A_215 = vector.broadcast %mul3A_214 : f32 to vector<2704x16xf32>
    %mul3A_216 = arith.mulf %mul3A_215, %mul3A_193 : vector<2704x16xf32>
    %add3A_217 = arith.addf %add3A_190, %mul3A_216 : vector<2704x16xf32>
    %jit3A_218 = arith.constant 0.000000e+00 : f32
    %jit3A_219 = arith.constant 8.000000e+02 : f32
    %max3A_220 = vector.broadcast %jit3A_218 : f32 to vector<2704x16xf32>
    %max3A_221 = arith.maximumf %max3A_220, %add3A_217 : vector<2704x16xf32>
    %min3A_222 = vector.broadcast %jit3A_219 : f32 to vector<2704x16xf32>
    %min3A_223 = arith.minimumf %min3A_222, %max3A_221 : vector<2704x16xf32>
    %mul3A_224 = arith.constant 5.000000e-01 : f32
    %mul3A_225 = vector.broadcast %mul3A_224 : f32 to vector<2704x16xf32>
    %mul3A_226 = arith.mulf %mul3A_225, %mul3A_195 : vector<2704x16xf32>
    %add3A_227 = arith.addf %add3A_192, %mul3A_226 : vector<2704x16xf32>
    %jit3A_228 = arith.constant 0.000000e+00 : f32
    %jit3A_229 = arith.constant 8.000000e+02 : f32
    %max3A_230 = vector.broadcast %jit3A_228 : f32 to vector<2704x16xf32>
    %max3A_231 = arith.maximumf %max3A_230, %add3A_227 : vector<2704x16xf32>
    %min3A_232 = vector.broadcast %jit3A_229 : f32 to vector<2704x16xf32>
    %min3A_233 = arith.minimumf %min3A_232, %max3A_231 : vector<2704x16xf32>
    %sub3A_234 = arith.subf %min3A_223, %min3A_203 : vector<2704x16xf32>
    %ge3A = arith.constant 1.000000e-03 : f32
    %ge3A_235 = vector.broadcast %ge3A : f32 to vector<2704x16xf32>
    %ge3A_236 = arith.cmpf oge, %sub3A_234, %ge3A_235 : vector<2704x16xf32>
    %sub3A_237 = arith.subf %min3A_233, %min3A_213 : vector<2704x16xf32>
    %ge3A_238 = arith.constant 1.000000e-03 : f32
    %ge3A_239 = vector.broadcast %ge3A_238 : f32 to vector<2704x16xf32>
    %ge3A_240 = arith.cmpf oge, %sub3A_237, %ge3A_239 : vector<2704x16xf32>
    %and3A = arith.andi %ge3A_236, %ge3A_240 : vector<2704x16xi1>
    %jit3A_241 = arith.constant -1.000000e+09 : f32
    %broadcast_in_dim3A_242 = vector.broadcast %jit3A_241 : f32 to vector<2704x16xf32>
    %select_n3A = arith.select %and3A, %slice3A_182, %broadcast_in_dim3A_242 : vector<2704x16xi1>, vector<2704x16xf32>
    %swap3A_243 = arith.constant 0 : index
    %swap3A_244 = arith.constant 0 : index
    %swap3A_245 = vector.load %arg7[%swap3A_243, %swap3A_244] : memref<2704x128xf32, #tpu.memory_space<vmem>>, vector<2704x16xf32>
    tpu.vector_store %arg7[%swap3A_243, %swap3A_244], %min3A_203 {strides = array<i32>} : memref<2704x128xf32, #tpu.memory_space<vmem>>, vector<2704x16xf32>,
    %swap3A_246 = arith.constant 0 : index
    %swap3A_247 = arith.constant 16 : index
    %swap3A_248 = vector.load %arg7[%swap3A_246, %swap3A_247] : memref<2704x128xf32, #tpu.memory_space<vmem>>, vector<2704x16xf32>
    tpu.vector_store %arg7[%swap3A_246, %swap3A_247], %min3A_213 {strides = array<i32>} : memref<2704x128xf32, #tpu.memory_space<vmem>>, vector<2704x16xf32>,
    %swap3A_249 = arith.constant 0 : index
    %swap3A_250 = arith.constant 32 : index
    %swap3A_251 = vector.load %arg7[%swap3A_249, %swap3A_250] : memref<2704x128xf32, #tpu.memory_space<vmem>>, vector<2704x16xf32>
    tpu.vector_store %arg7[%swap3A_249, %swap3A_250], %min3A_223 {strides = array<i32>} : memref<2704x128xf32, #tpu.memory_space<vmem>>, vector<2704x16xf32>,
    %swap3A_252 = arith.constant 0 : index
    %swap3A_253 = arith.constant 48 : index
    %swap3A_254 = vector.load %arg7[%swap3A_252, %swap3A_253] : memref<2704x128xf32, #tpu.memory_space<vmem>>, vector<2704x16xf32>
    tpu.vector_store %arg7[%swap3A_252, %swap3A_253], %min3A_233 {strides = array<i32>} : memref<2704x128xf32, #tpu.memory_space<vmem>>, vector<2704x16xf32>,
    %swap3A_255 = arith.constant 0 : index
    %swap3A_256 = arith.constant 64 : index
    %swap3A_257 = vector.load %arg7[%swap3A_255, %swap3A_256] : memref<2704x128xf32, #tpu.memory_space<vmem>>, vector<2704x16xf32>
    tpu.vector_store %arg7[%swap3A_255, %swap3A_256], %select_n3A {strides = array<i32>} : memref<2704x128xf32, #tpu.memory_space<vmem>>, vector<2704x16xf32>,
    %broadcast_in_dim3A_258 = arith.constant 0.000000e+00 : f32
    %broadcast_in_dim3A_259 = vector.broadcast %broadcast_in_dim3A_258 : f32 to vector<2704x48xf32>
    %swap3A_260 = arith.constant 0 : index
    %swap3A_261 = arith.constant 80 : index
    %swap3A_262 = vector.load %arg7[%swap3A_260, %swap3A_261] : memref<2704x128xf32, #tpu.memory_space<vmem>>, vector<2704x48xf32>
    tpu.vector_store %arg7[%swap3A_260, %swap3A_261], %broadcast_in_dim3A_259 {strides = array<i32>} : memref<2704x128xf32, #tpu.memory_space<vmem>>, vector<2704x48xf32>,
    return
  }
  func.func @transform_0(%arg0: i32) -> (i32, i32) {
    %c0_i32 = arith.constant 0 : i32
    %c0_i32_0 = arith.constant 0 : i32
    return %arg0, %c0_i32 : i32, i32
  }
  func.func @transform_1(%arg0: i32) -> (i32, i32) {
    %c0_i32 = arith.constant 0 : i32
    %c0_i32_0 = arith.constant 0 : i32
    %c0_i32_1 = arith.constant 0 : i32
    return %c0_i32, %c0_i32_0 : i32, i32
  }
  func.func @transform_2(%arg0: i32) -> (i32, i32) {
    %c0_i32 = arith.constant 0 : i32
    %c0_i32_0 = arith.constant 0 : i32
    %c0_i32_1 = arith.constant 0 : i32
    return %c0_i32, %c0_i32_0 : i32, i32
  }
  func.func @transform_3(%arg0: i32) -> (i32, i32) {
    %c0_i32 = arith.constant 0 : i32
    %c0_i32_0 = arith.constant 0 : i32
    %c0_i32_1 = arith.constant 0 : i32
    return %c0_i32, %c0_i32_0 : i32, i32
  }
  func.func @transform_4(%arg0: i32) -> (i32, i32) {
    %c0_i32 = arith.constant 0 : i32
    %c0_i32_0 = arith.constant 0 : i32
    %c0_i32_1 = arith.constant 0 : i32
    return %c0_i32, %c0_i32_0 : i32, i32
  }
  func.func @transform_5(%arg0: i32) -> (i32, i32) {
    %c0_i32 = arith.constant 0 : i32
    %c0_i32_0 = arith.constant 0 : i32
    %c0_i32_1 = arith.constant 0 : i32
    return %c0_i32, %c0_i32_0 : i32, i32
  }
  func.func @transform_6(%arg0: i32) -> (i32, i32) {
    %c0_i32 = arith.constant 0 : i32
    %c0_i32_0 = arith.constant 0 : i32
    return %arg0, %c0_i32 : i32, i32
  }
}

module attributes {stable_mosaic.version = 14 : i64} {
  func.func @_nms_kernel(%arg0: i32, %arg1: memref<2048x4xf32, #tpu.memory_space<vmem>>, %arg2: memref<8x2048xf32, #tpu.memory_space<vmem>>, %arg3: memref<8x2048xf32, #tpu.memory_space<vmem>>, %arg4: memref<8x2048xf32, #tpu.memory_space<vmem>>, %arg5: memref<128x128xf32, #tpu.memory_space<vmem>>) attributes {dimension_semantics = [#tpu.dimension_semantics<arbitrary>], iteration_bounds = array<i64: 2>, scalar_prefetch = 0 : i64, scratch_operands = 2 : i64, tpu.core_type = #tpu.core_type<tc>, window_params = [{transform_indices = @transform_0, window_bounds = array<i64: 2048, 4>}, {transform_indices = @transform_1, window_bounds = array<i64: 8, 2048>}, {transform_indices = @transform_2, window_bounds = array<i64: 8, 2048>}]} {
    %get3A = arith.constant 0 : index
    %get3A_0 = arith.constant 0 : index
    %get3A_1 = vector.load %arg1[%get3A, %get3A_0] : memref<2048x4xf32, #tpu.memory_space<vmem>>, vector<2048x1xf32>
    %get3A_2 = arith.constant 0 : index
    %get3A_3 = arith.constant 1 : index
    %get3A_4 = vector.load %arg1[%get3A_2, %get3A_3] : memref<2048x4xf32, #tpu.memory_space<vmem>>, vector<2048x1xf32>
    %get3A_5 = arith.constant 0 : index
    %get3A_6 = arith.constant 2 : index
    %get3A_7 = vector.load %arg1[%get3A_5, %get3A_6] : memref<2048x4xf32, #tpu.memory_space<vmem>>, vector<2048x1xf32>
    %get3A_8 = arith.constant 0 : index
    %get3A_9 = arith.constant 3 : index
    %get3A_10 = vector.load %arg1[%get3A_8, %get3A_9] : memref<2048x4xf32, #tpu.memory_space<vmem>>, vector<2048x1xf32>
    %sub3A = arith.subf %get3A_7, %get3A_1 : vector<2048x1xf32>
    %sub3A_11 = arith.subf %get3A_10, %get3A_4 : vector<2048x1xf32>
    %mul3A = arith.mulf %sub3A, %sub3A_11 : vector<2048x1xf32>
    %broadcast_in_dim3A = arith.constant 0.000000e+00 : f32
    %broadcast_in_dim3A_12 = vector.broadcast %broadcast_in_dim3A : f32 to vector<8x2048xf32>
    %swap3A = arith.constant 0 : index
    %swap3A_13 = arith.constant 0 : index
    %swap3A_14 = vector.load %arg4[%swap3A, %swap3A_13] : memref<8x2048xf32, #tpu.memory_space<vmem>>, vector<8x2048xf32>
    tpu.vector_store %arg4[%swap3A, %swap3A_13], %broadcast_in_dim3A_12 {strides = array<i32>} : memref<8x2048xf32, #tpu.memory_space<vmem>>, vector<8x2048xf32>,
    %get3A_15 = arith.constant 0 : index
    %get3A_16 = arith.constant 0 : index
    %get3A_17 = vector.load %arg2[%get3A_15, %get3A_16] : memref<8x2048xf32, #tpu.memory_space<vmem>>, vector<1x128xf32>
    %get3A_18 = arith.constant 1 : index
    %get3A_19 = arith.constant 0 : index
    %get3A_20 = vector.load %arg2[%get3A_18, %get3A_19] : memref<8x2048xf32, #tpu.memory_space<vmem>>, vector<1x128xf32>
    %get3A_21 = arith.constant 2 : index
    %get3A_22 = arith.constant 0 : index
    %get3A_23 = vector.load %arg2[%get3A_21, %get3A_22] : memref<8x2048xf32, #tpu.memory_space<vmem>>, vector<1x128xf32>
    %get3A_24 = arith.constant 3 : index
    %get3A_25 = arith.constant 0 : index
    %get3A_26 = vector.load %arg2[%get3A_24, %get3A_25] : memref<8x2048xf32, #tpu.memory_space<vmem>>, vector<1x128xf32>
    %sub3A_27 = arith.subf %get3A_23, %get3A_17 : vector<1x128xf32>
    %sub3A_28 = arith.subf %get3A_26, %get3A_20 : vector<1x128xf32>
    %mul3A_29 = arith.mulf %sub3A_27, %sub3A_28 : vector<1x128xf32>
    %min3A = vector.broadcast %get3A_7 : vector<2048x1xf32> to vector<2048x128xf32>
    %min3A_30 = vector.broadcast %get3A_23 : vector<1x128xf32> to vector<2048x128xf32>
    %min3A_31 = arith.minimumf %min3A, %min3A_30 : vector<2048x128xf32>
    %max3A = vector.broadcast %get3A_1 : vector<2048x1xf32> to vector<2048x128xf32>
    %max3A_32 = vector.broadcast %get3A_17 : vector<1x128xf32> to vector<2048x128xf32>
    %max3A_33 = arith.maximumf %max3A, %max3A_32 : vector<2048x128xf32>
    %sub3A_34 = arith.subf %min3A_31, %max3A_33 : vector<2048x128xf32>
    %max3A_35 = arith.constant 0.000000e+00 : f32
    %max3A_36 = vector.broadcast %max3A_35 : f32 to vector<2048x128xf32>
    %max3A_37 = arith.maximumf %sub3A_34, %max3A_36 : vector<2048x128xf32>
    %min3A_38 = vector.broadcast %get3A_10 : vector<2048x1xf32> to vector<2048x128xf32>
    %min3A_39 = vector.broadcast %get3A_26 : vector<1x128xf32> to vector<2048x128xf32>
    %min3A_40 = arith.minimumf %min3A_38, %min3A_39 : vector<2048x128xf32>
    %max3A_41 = vector.broadcast %get3A_4 : vector<2048x1xf32> to vector<2048x128xf32>
    %max3A_42 = vector.broadcast %get3A_20 : vector<1x128xf32> to vector<2048x128xf32>
    %max3A_43 = arith.maximumf %max3A_41, %max3A_42 : vector<2048x128xf32>
    %sub3A_44 = arith.subf %min3A_40, %max3A_43 : vector<2048x128xf32>
    %max3A_45 = arith.constant 0.000000e+00 : f32
    %max3A_46 = vector.broadcast %max3A_45 : f32 to vector<2048x128xf32>
    %max3A_47 = arith.maximumf %sub3A_44, %max3A_46 : vector<2048x128xf32>
    %mul3A_48 = arith.mulf %max3A_37, %max3A_47 : vector<2048x128xf32>
    %add3A = vector.broadcast %mul3A : vector<2048x1xf32> to vector<2048x128xf32>
    %add3A_49 = vector.broadcast %mul3A_29 : vector<1x128xf32> to vector<2048x128xf32>
    %add3A_50 = arith.addf %add3A, %add3A_49 : vector<2048x128xf32>
    %sub3A_51 = arith.subf %add3A_50, %mul3A_48 : vector<2048x128xf32>
    %add3A_52 = arith.constant 9.99999971E-10 : f32
    %add3A_53 = vector.broadcast %add3A_52 : f32 to vector<2048x128xf32>
    %add3A_54 = arith.addf %sub3A_51, %add3A_53 : vector<2048x128xf32>
    %mul3A_55 = arith.constant 0.699999988 : f32
    %mul3A_56 = vector.broadcast %mul3A_55 : f32 to vector<2048x128xf32>
    %mul3A_57 = arith.mulf %mul3A_56, %add3A_54 : vector<2048x128xf32>
    %gt3A = arith.cmpf ogt, %mul3A_48, %mul3A_57 : vector<2048x128xf32>
    %convert_element_type3A = arith.extui %gt3A : vector<2048x128xi1> to vector<2048x128xi32>
    %convert_element_type3A_58 = arith.sitofp %convert_element_type3A : vector<2048x128xi32> to vector<2048x128xf32>
    %get3A_59 = arith.constant 0 : index
    %get3A_60 = arith.constant 0 : index
    %get3A_61 = vector.load %arg4[%get3A_59, %get3A_60] : memref<8x2048xf32, #tpu.memory_space<vmem>>, vector<1x2048xf32>
    %dot_general3A = arith.constant dense<0.000000e+00> : vector<1x128xf32>
    %dot_general3A_62 = tpu.matmul %get3A_61, %convert_element_type3A_58, %dot_general3A {dimension_numbers = #tpu.dot_dimension_numbers<[1], [0], [0], [1], [0, 0, 1, 1], [], []>, transpose_lhs_hint = false} : vector<1x2048xf32>, vector<2048x128xf32>, vector<1x128xf32> -> vector<1x128xf32>
    %slice3A = vector.extract_strided_slice %convert_element_type3A_58 {offsets = [0, 0], sizes = [128, 128], strides = [1, 1]} : vector<2048x128xf32> to vector<128x128xf32>
    %swap3A_63 = arith.constant 0 : index
    %swap3A_64 = arith.constant 0 : index
    %swap3A_65 = vector.load %arg5[%swap3A_63, %swap3A_64] : memref<128x128xf32, #tpu.memory_space<vmem>>, vector<128x128xf32>
    tpu.vector_store %arg5[%swap3A_63, %swap3A_64], %slice3A {strides = array<i32>} : memref<128x128xf32, #tpu.memory_space<vmem>>, vector<128x128xf32>,
    %gt3A_66 = arith.constant 5.000000e-01 : f32
    %gt3A_67 = vector.broadcast %gt3A_66 : f32 to vector<1x128xf32>
    %gt3A_68 = arith.cmpf ogt, %dot_general3A_62, %gt3A_67 : vector<1x128xf32>
    %jit3A = arith.constant 0.000000e+00 : f32
    %jit3A_69 = arith.constant 1.000000e+00 : f32
    %broadcast_in_dim3A_70 = vector.broadcast %jit3A : f32 to vector<1x128xf32>
    %broadcast_in_dim3A_71 = vector.broadcast %jit3A_69 : f32 to vector<1x128xf32>
    %select_n3A = arith.select %gt3A_68, %broadcast_in_dim3A_70, %broadcast_in_dim3A_71 : vector<1x128xi1>, vector<1x128xf32>
    %swap3A_72 = arith.constant 0 : index
    %swap3A_73 = arith.constant 0 : index
    %swap3A_74 = vector.load %arg4[%swap3A_72, %swap3A_73] : memref<8x2048xf32, #tpu.memory_space<vmem>>, vector<1x128xf32>
    tpu.vector_store %arg4[%swap3A_72, %swap3A_73], %select_n3A {strides = array<i32>} : memref<8x2048xf32, #tpu.memory_space<vmem>>, vector<1x128xf32>,
    %get3A_75 = arith.constant 0 : index
    %get3A_76 = arith.constant 128 : index
    %get3A_77 = vector.load %arg2[%get3A_75, %get3A_76] : memref<8x2048xf32, #tpu.memory_space<vmem>>, vector<1x128xf32>
    %get3A_78 = arith.constant 1 : index
    %get3A_79 = arith.constant 128 : index
    %get3A_80 = vector.load %arg2[%get3A_78, %get3A_79] : memref<8x2048xf32, #tpu.memory_space<vmem>>, vector<1x128xf32>
    %get3A_81 = arith.constant 2 : index
    %get3A_82 = arith.constant 128 : index
    %get3A_83 = vector.load %arg2[%get3A_81, %get3A_82] : memref<8x2048xf32, #tpu.memory_space<vmem>>, vector<1x128xf32>
    %get3A_84 = arith.constant 3 : index
    %get3A_85 = arith.constant 128 : index
    %get3A_86 = vector.load %arg2[%get3A_84, %get3A_85] : memref<8x2048xf32, #tpu.memory_space<vmem>>, vector<1x128xf32>
    %sub3A_87 = arith.subf %get3A_83, %get3A_77 : vector<1x128xf32>
    %sub3A_88 = arith.subf %get3A_86, %get3A_80 : vector<1x128xf32>
    %mul3A_89 = arith.mulf %sub3A_87, %sub3A_88 : vector<1x128xf32>
    %min3A_90 = vector.broadcast %get3A_7 : vector<2048x1xf32> to vector<2048x128xf32>
    %min3A_91 = vector.broadcast %get3A_83 : vector<1x128xf32> to vector<2048x128xf32>
    %min3A_92 = arith.minimumf %min3A_90, %min3A_91 : vector<2048x128xf32>
    %max3A_93 = vector.broadcast %get3A_1 : vector<2048x1xf32> to vector<2048x128xf32>
    %max3A_94 = vector.broadcast %get3A_77 : vector<1x128xf32> to vector<2048x128xf32>
    %max3A_95 = arith.maximumf %max3A_93, %max3A_94 : vector<2048x128xf32>
    %sub3A_96 = arith.subf %min3A_92, %max3A_95 : vector<2048x128xf32>
    %max3A_97 = arith.constant 0.000000e+00 : f32
    %max3A_98 = vector.broadcast %max3A_97 : f32 to vector<2048x128xf32>
    %max3A_99 = arith.maximumf %sub3A_96, %max3A_98 : vector<2048x128xf32>
    %min3A_100 = vector.broadcast %get3A_10 : vector<2048x1xf32> to vector<2048x128xf32>
    %min3A_101 = vector.broadcast %get3A_86 : vector<1x128xf32> to vector<2048x128xf32>
    %min3A_102 = arith.minimumf %min3A_100, %min3A_101 : vector<2048x128xf32>
    %max3A_103 = vector.broadcast %get3A_4 : vector<2048x1xf32> to vector<2048x128xf32>
    %max3A_104 = vector.broadcast %get3A_80 : vector<1x128xf32> to vector<2048x128xf32>
    %max3A_105 = arith.maximumf %max3A_103, %max3A_104 : vector<2048x128xf32>
    %sub3A_106 = arith.subf %min3A_102, %max3A_105 : vector<2048x128xf32>
    %max3A_107 = arith.constant 0.000000e+00 : f32
    %max3A_108 = vector.broadcast %max3A_107 : f32 to vector<2048x128xf32>
    %max3A_109 = arith.maximumf %sub3A_106, %max3A_108 : vector<2048x128xf32>
    %mul3A_110 = arith.mulf %max3A_99, %max3A_109 : vector<2048x128xf32>
    %add3A_111 = vector.broadcast %mul3A : vector<2048x1xf32> to vector<2048x128xf32>
    %add3A_112 = vector.broadcast %mul3A_89 : vector<1x128xf32> to vector<2048x128xf32>
    %add3A_113 = arith.addf %add3A_111, %add3A_112 : vector<2048x128xf32>
    %sub3A_114 = arith.subf %add3A_113, %mul3A_110 : vector<2048x128xf32>
    %add3A_115 = arith.constant 9.99999971E-10 : f32
    %add3A_116 = vector.broadcast %add3A_115 : f32 to vector<2048x128xf32>
    %add3A_117 = arith.addf %sub3A_114, %add3A_116 : vector<2048x128xf32>
    %mul3A_118 = arith.constant 0.699999988 : f32
    %mul3A_119 = vector.broadcast %mul3A_118 : f32 to vector<2048x128xf32>
    %mul3A_120 = arith.mulf %mul3A_119, %add3A_117 : vector<2048x128xf32>
    %gt3A_121 = arith.cmpf ogt, %mul3A_110, %mul3A_120 : vector<2048x128xf32>
    %convert_element_type3A_122 = arith.extui %gt3A_121 : vector<2048x128xi1> to vector<2048x128xi32>
    %convert_element_type3A_123 = arith.sitofp %convert_element_type3A_122 : vector<2048x128xi32> to vector<2048x128xf32>
    %get3A_124 = arith.constant 0 : index
    %get3A_125 = arith.constant 0 : index
    %get3A_126 = vector.load %arg4[%get3A_124, %get3A_125] : memref<8x2048xf32, #tpu.memory_space<vmem>>, vector<1x2048xf32>
    %dot_general3A_127 = arith.constant dense<0.000000e+00> : vector<1x128xf32>
    %dot_general3A_128 = tpu.matmul %get3A_126, %convert_element_type3A_123, %dot_general3A_127 {dimension_numbers = #tpu.dot_dimension_numbers<[1], [0], [0], [1], [0, 0, 1, 1], [], []>, transpose_lhs_hint = false} : vector<1x2048xf32>, vector<2048x128xf32>, vector<1x128xf32> -> vector<1x128xf32>
    %slice3A_129 = vector.extract_strided_slice %convert_element_type3A_123 {offsets = [128, 0], sizes = [128, 128], strides = [1, 1]} : vector<2048x128xf32> to vector<128x128xf32>
    %swap3A_130 = arith.constant 0 : index
    %swap3A_131 = arith.constant 0 : index
    %swap3A_132 = vector.load %arg5[%swap3A_130, %swap3A_131] : memref<128x128xf32, #tpu.memory_space<vmem>>, vector<128x128xf32>
    tpu.vector_store %arg5[%swap3A_130, %swap3A_131], %slice3A_129 {strides = array<i32>} : memref<128x128xf32, #tpu.memory_space<vmem>>, vector<128x128xf32>,
    %gt3A_133 = arith.constant 5.000000e-01 : f32
    %gt3A_134 = vector.broadcast %gt3A_133 : f32 to vector<1x128xf32>
    %gt3A_135 = arith.cmpf ogt, %dot_general3A_128, %gt3A_134 : vector<1x128xf32>
    %jit3A_136 = arith.constant 0.000000e+00 : f32
    %jit3A_137 = arith.constant 1.000000e+00 : f32
    %broadcast_in_dim3A_138 = vector.broadcast %jit3A_136 : f32 to vector<1x128xf32>
    %broadcast_in_dim3A_139 = vector.broadcast %jit3A_137 : f32 to vector<1x128xf32>
    %select_n3A_140 = arith.select %gt3A_135, %broadcast_in_dim3A_138, %broadcast_in_dim3A_139 : vector<1x128xi1>, vector<1x128xf32>
    %swap3A_141 = arith.constant 0 : index
    %swap3A_142 = arith.constant 128 : index
    %swap3A_143 = vector.load %arg4[%swap3A_141, %swap3A_142] : memref<8x2048xf32, #tpu.memory_space<vmem>>, vector<1x128xf32>
    tpu.vector_store %arg4[%swap3A_141, %swap3A_142], %select_n3A_140 {strides = array<i32>} : memref<8x2048xf32, #tpu.memory_space<vmem>>, vector<1x128xf32>,
    %get3A_144 = arith.constant 0 : index
    %get3A_145 = arith.constant 256 : index
    %get3A_146 = vector.load %arg2[%get3A_144, %get3A_145] : memref<8x2048xf32, #tpu.memory_space<vmem>>, vector<1x128xf32>
    %get3A_147 = arith.constant 1 : index
    %get3A_148 = arith.constant 256 : index
    %get3A_149 = vector.load %arg2[%get3A_147, %get3A_148] : memref<8x2048xf32, #tpu.memory_space<vmem>>, vector<1x128xf32>
    %get3A_150 = arith.constant 2 : index
    %get3A_151 = arith.constant 256 : index
    %get3A_152 = vector.load %arg2[%get3A_150, %get3A_151] : memref<8x2048xf32, #tpu.memory_space<vmem>>, vector<1x128xf32>
    %get3A_153 = arith.constant 3 : index
    %get3A_154 = arith.constant 256 : index
    %get3A_155 = vector.load %arg2[%get3A_153, %get3A_154] : memref<8x2048xf32, #tpu.memory_space<vmem>>, vector<1x128xf32>
    %sub3A_156 = arith.subf %get3A_152, %get3A_146 : vector<1x128xf32>
    %sub3A_157 = arith.subf %get3A_155, %get3A_149 : vector<1x128xf32>
    %mul3A_158 = arith.mulf %sub3A_156, %sub3A_157 : vector<1x128xf32>
    %min3A_159 = vector.broadcast %get3A_7 : vector<2048x1xf32> to vector<2048x128xf32>
    %min3A_160 = vector.broadcast %get3A_152 : vector<1x128xf32> to vector<2048x128xf32>
    %min3A_161 = arith.minimumf %min3A_159, %min3A_160 : vector<2048x128xf32>
    %max3A_162 = vector.broadcast %get3A_1 : vector<2048x1xf32> to vector<2048x128xf32>
    %max3A_163 = vector.broadcast %get3A_146 : vector<1x128xf32> to vector<2048x128xf32>
    %max3A_164 = arith.maximumf %max3A_162, %max3A_163 : vector<2048x128xf32>
    %sub3A_165 = arith.subf %min3A_161, %max3A_164 : vector<2048x128xf32>
    %max3A_166 = arith.constant 0.000000e+00 : f32
    %max3A_167 = vector.broadcast %max3A_166 : f32 to vector<2048x128xf32>
    %max3A_168 = arith.maximumf %sub3A_165, %max3A_167 : vector<2048x128xf32>
    %min3A_169 = vector.broadcast %get3A_10 : vector<2048x1xf32> to vector<2048x128xf32>
    %min3A_170 = vector.broadcast %get3A_155 : vector<1x128xf32> to vector<2048x128xf32>
    %min3A_171 = arith.minimumf %min3A_169, %min3A_170 : vector<2048x128xf32>
    %max3A_172 = vector.broadcast %get3A_4 : vector<2048x1xf32> to vector<2048x128xf32>
    %max3A_173 = vector.broadcast %get3A_149 : vector<1x128xf32> to vector<2048x128xf32>
    %max3A_174 = arith.maximumf %max3A_172, %max3A_173 : vector<2048x128xf32>
    %sub3A_175 = arith.subf %min3A_171, %max3A_174 : vector<2048x128xf32>
    %max3A_176 = arith.constant 0.000000e+00 : f32
    %max3A_177 = vector.broadcast %max3A_176 : f32 to vector<2048x128xf32>
    %max3A_178 = arith.maximumf %sub3A_175, %max3A_177 : vector<2048x128xf32>
    %mul3A_179 = arith.mulf %max3A_168, %max3A_178 : vector<2048x128xf32>
    %add3A_180 = vector.broadcast %mul3A : vector<2048x1xf32> to vector<2048x128xf32>
    %add3A_181 = vector.broadcast %mul3A_158 : vector<1x128xf32> to vector<2048x128xf32>
    %add3A_182 = arith.addf %add3A_180, %add3A_181 : vector<2048x128xf32>
    %sub3A_183 = arith.subf %add3A_182, %mul3A_179 : vector<2048x128xf32>
    %add3A_184 = arith.constant 9.99999971E-10 : f32
    %add3A_185 = vector.broadcast %add3A_184 : f32 to vector<2048x128xf32>
    %add3A_186 = arith.addf %sub3A_183, %add3A_185 : vector<2048x128xf32>
    %mul3A_187 = arith.constant 0.699999988 : f32
    %mul3A_188 = vector.broadcast %mul3A_187 : f32 to vector<2048x128xf32>
    %mul3A_189 = arith.mulf %mul3A_188, %add3A_186 : vector<2048x128xf32>
    %gt3A_190 = arith.cmpf ogt, %mul3A_179, %mul3A_189 : vector<2048x128xf32>
    %convert_element_type3A_191 = arith.extui %gt3A_190 : vector<2048x128xi1> to vector<2048x128xi32>
    %convert_element_type3A_192 = arith.sitofp %convert_element_type3A_191 : vector<2048x128xi32> to vector<2048x128xf32>
    %get3A_193 = arith.constant 0 : index
    %get3A_194 = arith.constant 0 : index
    %get3A_195 = vector.load %arg4[%get3A_193, %get3A_194] : memref<8x2048xf32, #tpu.memory_space<vmem>>, vector<1x2048xf32>
    %dot_general3A_196 = arith.constant dense<0.000000e+00> : vector<1x128xf32>
    %dot_general3A_197 = tpu.matmul %get3A_195, %convert_element_type3A_192, %dot_general3A_196 {dimension_numbers = #tpu.dot_dimension_numbers<[1], [0], [0], [1], [0, 0, 1, 1], [], []>, transpose_lhs_hint = false} : vector<1x2048xf32>, vector<2048x128xf32>, vector<1x128xf32> -> vector<1x128xf32>
    %slice3A_198 = vector.extract_strided_slice %convert_element_type3A_192 {offsets = [256, 0], sizes = [128, 128], strides = [1, 1]} : vector<2048x128xf32> to vector<128x128xf32>
    %swap3A_199 = arith.constant 0 : index
    %swap3A_200 = arith.constant 0 : index
    %swap3A_201 = vector.load %arg5[%swap3A_199, %swap3A_200] : memref<128x128xf32, #tpu.memory_space<vmem>>, vector<128x128xf32>
    tpu.vector_store %arg5[%swap3A_199, %swap3A_200], %slice3A_198 {strides = array<i32>} : memref<128x128xf32, #tpu.memory_space<vmem>>, vector<128x128xf32>,
    %gt3A_202 = arith.constant 5.000000e-01 : f32
    %gt3A_203 = vector.broadcast %gt3A_202 : f32 to vector<1x128xf32>
    %gt3A_204 = arith.cmpf ogt, %dot_general3A_197, %gt3A_203 : vector<1x128xf32>
    %jit3A_205 = arith.constant 0.000000e+00 : f32
    %jit3A_206 = arith.constant 1.000000e+00 : f32
    %broadcast_in_dim3A_207 = vector.broadcast %jit3A_205 : f32 to vector<1x128xf32>
    %broadcast_in_dim3A_208 = vector.broadcast %jit3A_206 : f32 to vector<1x128xf32>
    %select_n3A_209 = arith.select %gt3A_204, %broadcast_in_dim3A_207, %broadcast_in_dim3A_208 : vector<1x128xi1>, vector<1x128xf32>
    %swap3A_210 = arith.constant 0 : index
    %swap3A_211 = arith.constant 256 : index
    %swap3A_212 = vector.load %arg4[%swap3A_210, %swap3A_211] : memref<8x2048xf32, #tpu.memory_space<vmem>>, vector<1x128xf32>
    tpu.vector_store %arg4[%swap3A_210, %swap3A_211], %select_n3A_209 {strides = array<i32>} : memref<8x2048xf32, #tpu.memory_space<vmem>>, vector<1x128xf32>,
    %get3A_213 = arith.constant 0 : index
    %get3A_214 = arith.constant 384 : index
    %get3A_215 = vector.load %arg2[%get3A_213, %get3A_214] : memref<8x2048xf32, #tpu.memory_space<vmem>>, vector<1x128xf32>
    %get3A_216 = arith.constant 1 : index
    %get3A_217 = arith.constant 384 : index
    %get3A_218 = vector.load %arg2[%get3A_216, %get3A_217] : memref<8x2048xf32, #tpu.memory_space<vmem>>, vector<1x128xf32>
    %get3A_219 = arith.constant 2 : index
    %get3A_220 = arith.constant 384 : index
    %get3A_221 = vector.load %arg2[%get3A_219, %get3A_220] : memref<8x2048xf32, #tpu.memory_space<vmem>>, vector<1x128xf32>
    %get3A_222 = arith.constant 3 : index
    %get3A_223 = arith.constant 384 : index
    %get3A_224 = vector.load %arg2[%get3A_222, %get3A_223] : memref<8x2048xf32, #tpu.memory_space<vmem>>, vector<1x128xf32>
    %sub3A_225 = arith.subf %get3A_221, %get3A_215 : vector<1x128xf32>
    %sub3A_226 = arith.subf %get3A_224, %get3A_218 : vector<1x128xf32>
    %mul3A_227 = arith.mulf %sub3A_225, %sub3A_226 : vector<1x128xf32>
    %min3A_228 = vector.broadcast %get3A_7 : vector<2048x1xf32> to vector<2048x128xf32>
    %min3A_229 = vector.broadcast %get3A_221 : vector<1x128xf32> to vector<2048x128xf32>
    %min3A_230 = arith.minimumf %min3A_228, %min3A_229 : vector<2048x128xf32>
    %max3A_231 = vector.broadcast %get3A_1 : vector<2048x1xf32> to vector<2048x128xf32>
    %max3A_232 = vector.broadcast %get3A_215 : vector<1x128xf32> to vector<2048x128xf32>
    %max3A_233 = arith.maximumf %max3A_231, %max3A_232 : vector<2048x128xf32>
    %sub3A_234 = arith.subf %min3A_230, %max3A_233 : vector<2048x128xf32>
    %max3A_235 = arith.constant 0.000000e+00 : f32
    %max3A_236 = vector.broadcast %max3A_235 : f32 to vector<2048x128xf32>
    %max3A_237 = arith.maximumf %sub3A_234, %max3A_236 : vector<2048x128xf32>
    %min3A_238 = vector.broadcast %get3A_10 : vector<2048x1xf32> to vector<2048x128xf32>
    %min3A_239 = vector.broadcast %get3A_224 : vector<1x128xf32> to vector<2048x128xf32>
    %min3A_240 = arith.minimumf %min3A_238, %min3A_239 : vector<2048x128xf32>
    %max3A_241 = vector.broadcast %get3A_4 : vector<2048x1xf32> to vector<2048x128xf32>
    %max3A_242 = vector.broadcast %get3A_218 : vector<1x128xf32> to vector<2048x128xf32>
    %max3A_243 = arith.maximumf %max3A_241, %max3A_242 : vector<2048x128xf32>
    %sub3A_244 = arith.subf %min3A_240, %max3A_243 : vector<2048x128xf32>
    %max3A_245 = arith.constant 0.000000e+00 : f32
    %max3A_246 = vector.broadcast %max3A_245 : f32 to vector<2048x128xf32>
    %max3A_247 = arith.maximumf %sub3A_244, %max3A_246 : vector<2048x128xf32>
    %mul3A_248 = arith.mulf %max3A_237, %max3A_247 : vector<2048x128xf32>
    %add3A_249 = vector.broadcast %mul3A : vector<2048x1xf32> to vector<2048x128xf32>
    %add3A_250 = vector.broadcast %mul3A_227 : vector<1x128xf32> to vector<2048x128xf32>
    %add3A_251 = arith.addf %add3A_249, %add3A_250 : vector<2048x128xf32>
    %sub3A_252 = arith.subf %add3A_251, %mul3A_248 : vector<2048x128xf32>
    %add3A_253 = arith.constant 9.99999971E-10 : f32
    %add3A_254 = vector.broadcast %add3A_253 : f32 to vector<2048x128xf32>
    %add3A_255 = arith.addf %sub3A_252, %add3A_254 : vector<2048x128xf32>
    %mul3A_256 = arith.constant 0.699999988 : f32
    %mul3A_257 = vector.broadcast %mul3A_256 : f32 to vector<2048x128xf32>
    %mul3A_258 = arith.mulf %mul3A_257, %add3A_255 : vector<2048x128xf32>
    %gt3A_259 = arith.cmpf ogt, %mul3A_248, %mul3A_258 : vector<2048x128xf32>
    %convert_element_type3A_260 = arith.extui %gt3A_259 : vector<2048x128xi1> to vector<2048x128xi32>
    %convert_element_type3A_261 = arith.sitofp %convert_element_type3A_260 : vector<2048x128xi32> to vector<2048x128xf32>
    %get3A_262 = arith.constant 0 : index
    %get3A_263 = arith.constant 0 : index
    %get3A_264 = vector.load %arg4[%get3A_262, %get3A_263] : memref<8x2048xf32, #tpu.memory_space<vmem>>, vector<1x2048xf32>
    %dot_general3A_265 = arith.constant dense<0.000000e+00> : vector<1x128xf32>
    %dot_general3A_266 = tpu.matmul %get3A_264, %convert_element_type3A_261, %dot_general3A_265 {dimension_numbers = #tpu.dot_dimension_numbers<[1], [0], [0], [1], [0, 0, 1, 1], [], []>, transpose_lhs_hint = false} : vector<1x2048xf32>, vector<2048x128xf32>, vector<1x128xf32> -> vector<1x128xf32>
    %slice3A_267 = vector.extract_strided_slice %convert_element_type3A_261 {offsets = [384, 0], sizes = [128, 128], strides = [1, 1]} : vector<2048x128xf32> to vector<128x128xf32>
    %swap3A_268 = arith.constant 0 : index
    %swap3A_269 = arith.constant 0 : index
    %swap3A_270 = vector.load %arg5[%swap3A_268, %swap3A_269] : memref<128x128xf32, #tpu.memory_space<vmem>>, vector<128x128xf32>
    tpu.vector_store %arg5[%swap3A_268, %swap3A_269], %slice3A_267 {strides = array<i32>} : memref<128x128xf32, #tpu.memory_space<vmem>>, vector<128x128xf32>,
    %gt3A_271 = arith.constant 5.000000e-01 : f32
    %gt3A_272 = vector.broadcast %gt3A_271 : f32 to vector<1x128xf32>
    %gt3A_273 = arith.cmpf ogt, %dot_general3A_266, %gt3A_272 : vector<1x128xf32>
    %jit3A_274 = arith.constant 0.000000e+00 : f32
    %jit3A_275 = arith.constant 1.000000e+00 : f32
    %broadcast_in_dim3A_276 = vector.broadcast %jit3A_274 : f32 to vector<1x128xf32>
    %broadcast_in_dim3A_277 = vector.broadcast %jit3A_275 : f32 to vector<1x128xf32>
    %select_n3A_278 = arith.select %gt3A_273, %broadcast_in_dim3A_276, %broadcast_in_dim3A_277 : vector<1x128xi1>, vector<1x128xf32>
    %swap3A_279 = arith.constant 0 : index
    %swap3A_280 = arith.constant 384 : index
    %swap3A_281 = vector.load %arg4[%swap3A_279, %swap3A_280] : memref<8x2048xf32, #tpu.memory_space<vmem>>, vector<1x128xf32>
    tpu.vector_store %arg4[%swap3A_279, %swap3A_280], %select_n3A_278 {strides = array<i32>} : memref<8x2048xf32, #tpu.memory_space<vmem>>, vector<1x128xf32>,
    %get3A_282 = arith.constant 0 : index
    %get3A_283 = arith.constant 512 : index
    %get3A_284 = vector.load %arg2[%get3A_282, %get3A_283] : memref<8x2048xf32, #tpu.memory_space<vmem>>, vector<1x128xf32>
    %get3A_285 = arith.constant 1 : index
    %get3A_286 = arith.constant 512 : index
    %get3A_287 = vector.load %arg2[%get3A_285, %get3A_286] : memref<8x2048xf32, #tpu.memory_space<vmem>>, vector<1x128xf32>
    %get3A_288 = arith.constant 2 : index
    %get3A_289 = arith.constant 512 : index
    %get3A_290 = vector.load %arg2[%get3A_288, %get3A_289] : memref<8x2048xf32, #tpu.memory_space<vmem>>, vector<1x128xf32>
    %get3A_291 = arith.constant 3 : index
    %get3A_292 = arith.constant 512 : index
    %get3A_293 = vector.load %arg2[%get3A_291, %get3A_292] : memref<8x2048xf32, #tpu.memory_space<vmem>>, vector<1x128xf32>
    %sub3A_294 = arith.subf %get3A_290, %get3A_284 : vector<1x128xf32>
    %sub3A_295 = arith.subf %get3A_293, %get3A_287 : vector<1x128xf32>
    %mul3A_296 = arith.mulf %sub3A_294, %sub3A_295 : vector<1x128xf32>
    %min3A_297 = vector.broadcast %get3A_7 : vector<2048x1xf32> to vector<2048x128xf32>
    %min3A_298 = vector.broadcast %get3A_290 : vector<1x128xf32> to vector<2048x128xf32>
    %min3A_299 = arith.minimumf %min3A_297, %min3A_298 : vector<2048x128xf32>
    %max3A_300 = vector.broadcast %get3A_1 : vector<2048x1xf32> to vector<2048x128xf32>
    %max3A_301 = vector.broadcast %get3A_284 : vector<1x128xf32> to vector<2048x128xf32>
    %max3A_302 = arith.maximumf %max3A_300, %max3A_301 : vector<2048x128xf32>
    %sub3A_303 = arith.subf %min3A_299, %max3A_302 : vector<2048x128xf32>
    %max3A_304 = arith.constant 0.000000e+00 : f32
    %max3A_305 = vector.broadcast %max3A_304 : f32 to vector<2048x128xf32>
    %max3A_306 = arith.maximumf %sub3A_303, %max3A_305 : vector<2048x128xf32>
    %min3A_307 = vector.broadcast %get3A_10 : vector<2048x1xf32> to vector<2048x128xf32>
    %min3A_308 = vector.broadcast %get3A_293 : vector<1x128xf32> to vector<2048x128xf32>
    %min3A_309 = arith.minimumf %min3A_307, %min3A_308 : vector<2048x128xf32>
    %max3A_310 = vector.broadcast %get3A_4 : vector<2048x1xf32> to vector<2048x128xf32>
    %max3A_311 = vector.broadcast %get3A_287 : vector<1x128xf32> to vector<2048x128xf32>
    %max3A_312 = arith.maximumf %max3A_310, %max3A_311 : vector<2048x128xf32>
    %sub3A_313 = arith.subf %min3A_309, %max3A_312 : vector<2048x128xf32>
    %max3A_314 = arith.constant 0.000000e+00 : f32
    %max3A_315 = vector.broadcast %max3A_314 : f32 to vector<2048x128xf32>
    %max3A_316 = arith.maximumf %sub3A_313, %max3A_315 : vector<2048x128xf32>
    %mul3A_317 = arith.mulf %max3A_306, %max3A_316 : vector<2048x128xf32>
    %add3A_318 = vector.broadcast %mul3A : vector<2048x1xf32> to vector<2048x128xf32>
    %add3A_319 = vector.broadcast %mul3A_296 : vector<1x128xf32> to vector<2048x128xf32>
    %add3A_320 = arith.addf %add3A_318, %add3A_319 : vector<2048x128xf32>
    %sub3A_321 = arith.subf %add3A_320, %mul3A_317 : vector<2048x128xf32>
    %add3A_322 = arith.constant 9.99999971E-10 : f32
    %add3A_323 = vector.broadcast %add3A_322 : f32 to vector<2048x128xf32>
    %add3A_324 = arith.addf %sub3A_321, %add3A_323 : vector<2048x128xf32>
    %mul3A_325 = arith.constant 0.699999988 : f32
    %mul3A_326 = vector.broadcast %mul3A_325 : f32 to vector<2048x128xf32>
    %mul3A_327 = arith.mulf %mul3A_326, %add3A_324 : vector<2048x128xf32>
    %gt3A_328 = arith.cmpf ogt, %mul3A_317, %mul3A_327 : vector<2048x128xf32>
    %convert_element_type3A_329 = arith.extui %gt3A_328 : vector<2048x128xi1> to vector<2048x128xi32>
    %convert_element_type3A_330 = arith.sitofp %convert_element_type3A_329 : vector<2048x128xi32> to vector<2048x128xf32>
    %get3A_331 = arith.constant 0 : index
    %get3A_332 = arith.constant 0 : index
    %get3A_333 = vector.load %arg4[%get3A_331, %get3A_332] : memref<8x2048xf32, #tpu.memory_space<vmem>>, vector<1x2048xf32>
    %dot_general3A_334 = arith.constant dense<0.000000e+00> : vector<1x128xf32>
    %dot_general3A_335 = tpu.matmul %get3A_333, %convert_element_type3A_330, %dot_general3A_334 {dimension_numbers = #tpu.dot_dimension_numbers<[1], [0], [0], [1], [0, 0, 1, 1], [], []>, transpose_lhs_hint = false} : vector<1x2048xf32>, vector<2048x128xf32>, vector<1x128xf32> -> vector<1x128xf32>
    %slice3A_336 = vector.extract_strided_slice %convert_element_type3A_330 {offsets = [512, 0], sizes = [128, 128], strides = [1, 1]} : vector<2048x128xf32> to vector<128x128xf32>
    %swap3A_337 = arith.constant 0 : index
    %swap3A_338 = arith.constant 0 : index
    %swap3A_339 = vector.load %arg5[%swap3A_337, %swap3A_338] : memref<128x128xf32, #tpu.memory_space<vmem>>, vector<128x128xf32>
    tpu.vector_store %arg5[%swap3A_337, %swap3A_338], %slice3A_336 {strides = array<i32>} : memref<128x128xf32, #tpu.memory_space<vmem>>, vector<128x128xf32>,
    %gt3A_340 = arith.constant 5.000000e-01 : f32
    %gt3A_341 = vector.broadcast %gt3A_340 : f32 to vector<1x128xf32>
    %gt3A_342 = arith.cmpf ogt, %dot_general3A_335, %gt3A_341 : vector<1x128xf32>
    %jit3A_343 = arith.constant 0.000000e+00 : f32
    %jit3A_344 = arith.constant 1.000000e+00 : f32
    %broadcast_in_dim3A_345 = vector.broadcast %jit3A_343 : f32 to vector<1x128xf32>
    %broadcast_in_dim3A_346 = vector.broadcast %jit3A_344 : f32 to vector<1x128xf32>
    %select_n3A_347 = arith.select %gt3A_342, %broadcast_in_dim3A_345, %broadcast_in_dim3A_346 : vector<1x128xi1>, vector<1x128xf32>
    %swap3A_348 = arith.constant 0 : index
    %swap3A_349 = arith.constant 512 : index
    %swap3A_350 = vector.load %arg4[%swap3A_348, %swap3A_349] : memref<8x2048xf32, #tpu.memory_space<vmem>>, vector<1x128xf32>
    tpu.vector_store %arg4[%swap3A_348, %swap3A_349], %select_n3A_347 {strides = array<i32>} : memref<8x2048xf32, #tpu.memory_space<vmem>>, vector<1x128xf32>,
    %get3A_351 = arith.constant 0 : index
    %get3A_352 = arith.constant 640 : index
    %get3A_353 = vector.load %arg2[%get3A_351, %get3A_352] : memref<8x2048xf32, #tpu.memory_space<vmem>>, vector<1x128xf32>
    %get3A_354 = arith.constant 1 : index
    %get3A_355 = arith.constant 640 : index
    %get3A_356 = vector.load %arg2[%get3A_354, %get3A_355] : memref<8x2048xf32, #tpu.memory_space<vmem>>, vector<1x128xf32>
    %get3A_357 = arith.constant 2 : index
    %get3A_358 = arith.constant 640 : index
    %get3A_359 = vector.load %arg2[%get3A_357, %get3A_358] : memref<8x2048xf32, #tpu.memory_space<vmem>>, vector<1x128xf32>
    %get3A_360 = arith.constant 3 : index
    %get3A_361 = arith.constant 640 : index
    %get3A_362 = vector.load %arg2[%get3A_360, %get3A_361] : memref<8x2048xf32, #tpu.memory_space<vmem>>, vector<1x128xf32>
    %sub3A_363 = arith.subf %get3A_359, %get3A_353 : vector<1x128xf32>
    %sub3A_364 = arith.subf %get3A_362, %get3A_356 : vector<1x128xf32>
    %mul3A_365 = arith.mulf %sub3A_363, %sub3A_364 : vector<1x128xf32>
    %min3A_366 = vector.broadcast %get3A_7 : vector<2048x1xf32> to vector<2048x128xf32>
    %min3A_367 = vector.broadcast %get3A_359 : vector<1x128xf32> to vector<2048x128xf32>
    %min3A_368 = arith.minimumf %min3A_366, %min3A_367 : vector<2048x128xf32>
    %max3A_369 = vector.broadcast %get3A_1 : vector<2048x1xf32> to vector<2048x128xf32>
    %max3A_370 = vector.broadcast %get3A_353 : vector<1x128xf32> to vector<2048x128xf32>
    %max3A_371 = arith.maximumf %max3A_369, %max3A_370 : vector<2048x128xf32>
    %sub3A_372 = arith.subf %min3A_368, %max3A_371 : vector<2048x128xf32>
    %max3A_373 = arith.constant 0.000000e+00 : f32
    %max3A_374 = vector.broadcast %max3A_373 : f32 to vector<2048x128xf32>
    %max3A_375 = arith.maximumf %sub3A_372, %max3A_374 : vector<2048x128xf32>
    %min3A_376 = vector.broadcast %get3A_10 : vector<2048x1xf32> to vector<2048x128xf32>
    %min3A_377 = vector.broadcast %get3A_362 : vector<1x128xf32> to vector<2048x128xf32>
    %min3A_378 = arith.minimumf %min3A_376, %min3A_377 : vector<2048x128xf32>
    %max3A_379 = vector.broadcast %get3A_4 : vector<2048x1xf32> to vector<2048x128xf32>
    %max3A_380 = vector.broadcast %get3A_356 : vector<1x128xf32> to vector<2048x128xf32>
    %max3A_381 = arith.maximumf %max3A_379, %max3A_380 : vector<2048x128xf32>
    %sub3A_382 = arith.subf %min3A_378, %max3A_381 : vector<2048x128xf32>
    %max3A_383 = arith.constant 0.000000e+00 : f32
    %max3A_384 = vector.broadcast %max3A_383 : f32 to vector<2048x128xf32>
    %max3A_385 = arith.maximumf %sub3A_382, %max3A_384 : vector<2048x128xf32>
    %mul3A_386 = arith.mulf %max3A_375, %max3A_385 : vector<2048x128xf32>
    %add3A_387 = vector.broadcast %mul3A : vector<2048x1xf32> to vector<2048x128xf32>
    %add3A_388 = vector.broadcast %mul3A_365 : vector<1x128xf32> to vector<2048x128xf32>
    %add3A_389 = arith.addf %add3A_387, %add3A_388 : vector<2048x128xf32>
    %sub3A_390 = arith.subf %add3A_389, %mul3A_386 : vector<2048x128xf32>
    %add3A_391 = arith.constant 9.99999971E-10 : f32
    %add3A_392 = vector.broadcast %add3A_391 : f32 to vector<2048x128xf32>
    %add3A_393 = arith.addf %sub3A_390, %add3A_392 : vector<2048x128xf32>
    %mul3A_394 = arith.constant 0.699999988 : f32
    %mul3A_395 = vector.broadcast %mul3A_394 : f32 to vector<2048x128xf32>
    %mul3A_396 = arith.mulf %mul3A_395, %add3A_393 : vector<2048x128xf32>
    %gt3A_397 = arith.cmpf ogt, %mul3A_386, %mul3A_396 : vector<2048x128xf32>
    %convert_element_type3A_398 = arith.extui %gt3A_397 : vector<2048x128xi1> to vector<2048x128xi32>
    %convert_element_type3A_399 = arith.sitofp %convert_element_type3A_398 : vector<2048x128xi32> to vector<2048x128xf32>
    %get3A_400 = arith.constant 0 : index
    %get3A_401 = arith.constant 0 : index
    %get3A_402 = vector.load %arg4[%get3A_400, %get3A_401] : memref<8x2048xf32, #tpu.memory_space<vmem>>, vector<1x2048xf32>
    %dot_general3A_403 = arith.constant dense<0.000000e+00> : vector<1x128xf32>
    %dot_general3A_404 = tpu.matmul %get3A_402, %convert_element_type3A_399, %dot_general3A_403 {dimension_numbers = #tpu.dot_dimension_numbers<[1], [0], [0], [1], [0, 0, 1, 1], [], []>, transpose_lhs_hint = false} : vector<1x2048xf32>, vector<2048x128xf32>, vector<1x128xf32> -> vector<1x128xf32>
    %slice3A_405 = vector.extract_strided_slice %convert_element_type3A_399 {offsets = [640, 0], sizes = [128, 128], strides = [1, 1]} : vector<2048x128xf32> to vector<128x128xf32>
    %swap3A_406 = arith.constant 0 : index
    %swap3A_407 = arith.constant 0 : index
    %swap3A_408 = vector.load %arg5[%swap3A_406, %swap3A_407] : memref<128x128xf32, #tpu.memory_space<vmem>>, vector<128x128xf32>
    tpu.vector_store %arg5[%swap3A_406, %swap3A_407], %slice3A_405 {strides = array<i32>} : memref<128x128xf32, #tpu.memory_space<vmem>>, vector<128x128xf32>,
    %gt3A_409 = arith.constant 5.000000e-01 : f32
    %gt3A_410 = vector.broadcast %gt3A_409 : f32 to vector<1x128xf32>
    %gt3A_411 = arith.cmpf ogt, %dot_general3A_404, %gt3A_410 : vector<1x128xf32>
    %jit3A_412 = arith.constant 0.000000e+00 : f32
    %jit3A_413 = arith.constant 1.000000e+00 : f32
    %broadcast_in_dim3A_414 = vector.broadcast %jit3A_412 : f32 to vector<1x128xf32>
    %broadcast_in_dim3A_415 = vector.broadcast %jit3A_413 : f32 to vector<1x128xf32>
    %select_n3A_416 = arith.select %gt3A_411, %broadcast_in_dim3A_414, %broadcast_in_dim3A_415 : vector<1x128xi1>, vector<1x128xf32>
    %swap3A_417 = arith.constant 0 : index
    %swap3A_418 = arith.constant 640 : index
    %swap3A_419 = vector.load %arg4[%swap3A_417, %swap3A_418] : memref<8x2048xf32, #tpu.memory_space<vmem>>, vector<1x128xf32>
    tpu.vector_store %arg4[%swap3A_417, %swap3A_418], %select_n3A_416 {strides = array<i32>} : memref<8x2048xf32, #tpu.memory_space<vmem>>, vector<1x128xf32>,
    %get3A_420 = arith.constant 0 : index
    %get3A_421 = arith.constant 768 : index
    %get3A_422 = vector.load %arg2[%get3A_420, %get3A_421] : memref<8x2048xf32, #tpu.memory_space<vmem>>, vector<1x128xf32>
    %get3A_423 = arith.constant 1 : index
    %get3A_424 = arith.constant 768 : index
    %get3A_425 = vector.load %arg2[%get3A_423, %get3A_424] : memref<8x2048xf32, #tpu.memory_space<vmem>>, vector<1x128xf32>
    %get3A_426 = arith.constant 2 : index
    %get3A_427 = arith.constant 768 : index
    %get3A_428 = vector.load %arg2[%get3A_426, %get3A_427] : memref<8x2048xf32, #tpu.memory_space<vmem>>, vector<1x128xf32>
    %get3A_429 = arith.constant 3 : index
    %get3A_430 = arith.constant 768 : index
    %get3A_431 = vector.load %arg2[%get3A_429, %get3A_430] : memref<8x2048xf32, #tpu.memory_space<vmem>>, vector<1x128xf32>
    %sub3A_432 = arith.subf %get3A_428, %get3A_422 : vector<1x128xf32>
    %sub3A_433 = arith.subf %get3A_431, %get3A_425 : vector<1x128xf32>
    %mul3A_434 = arith.mulf %sub3A_432, %sub3A_433 : vector<1x128xf32>
    %min3A_435 = vector.broadcast %get3A_7 : vector<2048x1xf32> to vector<2048x128xf32>
    %min3A_436 = vector.broadcast %get3A_428 : vector<1x128xf32> to vector<2048x128xf32>
    %min3A_437 = arith.minimumf %min3A_435, %min3A_436 : vector<2048x128xf32>
    %max3A_438 = vector.broadcast %get3A_1 : vector<2048x1xf32> to vector<2048x128xf32>
    %max3A_439 = vector.broadcast %get3A_422 : vector<1x128xf32> to vector<2048x128xf32>
    %max3A_440 = arith.maximumf %max3A_438, %max3A_439 : vector<2048x128xf32>
    %sub3A_441 = arith.subf %min3A_437, %max3A_440 : vector<2048x128xf32>
    %max3A_442 = arith.constant 0.000000e+00 : f32
    %max3A_443 = vector.broadcast %max3A_442 : f32 to vector<2048x128xf32>
    %max3A_444 = arith.maximumf %sub3A_441, %max3A_443 : vector<2048x128xf32>
    %min3A_445 = vector.broadcast %get3A_10 : vector<2048x1xf32> to vector<2048x128xf32>
    %min3A_446 = vector.broadcast %get3A_431 : vector<1x128xf32> to vector<2048x128xf32>
    %min3A_447 = arith.minimumf %min3A_445, %min3A_446 : vector<2048x128xf32>
    %max3A_448 = vector.broadcast %get3A_4 : vector<2048x1xf32> to vector<2048x128xf32>
    %max3A_449 = vector.broadcast %get3A_425 : vector<1x128xf32> to vector<2048x128xf32>
    %max3A_450 = arith.maximumf %max3A_448, %max3A_449 : vector<2048x128xf32>
    %sub3A_451 = arith.subf %min3A_447, %max3A_450 : vector<2048x128xf32>
    %max3A_452 = arith.constant 0.000000e+00 : f32
    %max3A_453 = vector.broadcast %max3A_452 : f32 to vector<2048x128xf32>
    %max3A_454 = arith.maximumf %sub3A_451, %max3A_453 : vector<2048x128xf32>
    %mul3A_455 = arith.mulf %max3A_444, %max3A_454 : vector<2048x128xf32>
    %add3A_456 = vector.broadcast %mul3A : vector<2048x1xf32> to vector<2048x128xf32>
    %add3A_457 = vector.broadcast %mul3A_434 : vector<1x128xf32> to vector<2048x128xf32>
    %add3A_458 = arith.addf %add3A_456, %add3A_457 : vector<2048x128xf32>
    %sub3A_459 = arith.subf %add3A_458, %mul3A_455 : vector<2048x128xf32>
    %add3A_460 = arith.constant 9.99999971E-10 : f32
    %add3A_461 = vector.broadcast %add3A_460 : f32 to vector<2048x128xf32>
    %add3A_462 = arith.addf %sub3A_459, %add3A_461 : vector<2048x128xf32>
    %mul3A_463 = arith.constant 0.699999988 : f32
    %mul3A_464 = vector.broadcast %mul3A_463 : f32 to vector<2048x128xf32>
    %mul3A_465 = arith.mulf %mul3A_464, %add3A_462 : vector<2048x128xf32>
    %gt3A_466 = arith.cmpf ogt, %mul3A_455, %mul3A_465 : vector<2048x128xf32>
    %convert_element_type3A_467 = arith.extui %gt3A_466 : vector<2048x128xi1> to vector<2048x128xi32>
    %convert_element_type3A_468 = arith.sitofp %convert_element_type3A_467 : vector<2048x128xi32> to vector<2048x128xf32>
    %get3A_469 = arith.constant 0 : index
    %get3A_470 = arith.constant 0 : index
    %get3A_471 = vector.load %arg4[%get3A_469, %get3A_470] : memref<8x2048xf32, #tpu.memory_space<vmem>>, vector<1x2048xf32>
    %dot_general3A_472 = arith.constant dense<0.000000e+00> : vector<1x128xf32>
    %dot_general3A_473 = tpu.matmul %get3A_471, %convert_element_type3A_468, %dot_general3A_472 {dimension_numbers = #tpu.dot_dimension_numbers<[1], [0], [0], [1], [0, 0, 1, 1], [], []>, transpose_lhs_hint = false} : vector<1x2048xf32>, vector<2048x128xf32>, vector<1x128xf32> -> vector<1x128xf32>
    %slice3A_474 = vector.extract_strided_slice %convert_element_type3A_468 {offsets = [768, 0], sizes = [128, 128], strides = [1, 1]} : vector<2048x128xf32> to vector<128x128xf32>
    %swap3A_475 = arith.constant 0 : index
    %swap3A_476 = arith.constant 0 : index
    %swap3A_477 = vector.load %arg5[%swap3A_475, %swap3A_476] : memref<128x128xf32, #tpu.memory_space<vmem>>, vector<128x128xf32>
    tpu.vector_store %arg5[%swap3A_475, %swap3A_476], %slice3A_474 {strides = array<i32>} : memref<128x128xf32, #tpu.memory_space<vmem>>, vector<128x128xf32>,
    %gt3A_478 = arith.constant 5.000000e-01 : f32
    %gt3A_479 = vector.broadcast %gt3A_478 : f32 to vector<1x128xf32>
    %gt3A_480 = arith.cmpf ogt, %dot_general3A_473, %gt3A_479 : vector<1x128xf32>
    %jit3A_481 = arith.constant 0.000000e+00 : f32
    %jit3A_482 = arith.constant 1.000000e+00 : f32
    %broadcast_in_dim3A_483 = vector.broadcast %jit3A_481 : f32 to vector<1x128xf32>
    %broadcast_in_dim3A_484 = vector.broadcast %jit3A_482 : f32 to vector<1x128xf32>
    %select_n3A_485 = arith.select %gt3A_480, %broadcast_in_dim3A_483, %broadcast_in_dim3A_484 : vector<1x128xi1>, vector<1x128xf32>
    %swap3A_486 = arith.constant 0 : index
    %swap3A_487 = arith.constant 768 : index
    %swap3A_488 = vector.load %arg4[%swap3A_486, %swap3A_487] : memref<8x2048xf32, #tpu.memory_space<vmem>>, vector<1x128xf32>
    tpu.vector_store %arg4[%swap3A_486, %swap3A_487], %select_n3A_485 {strides = array<i32>} : memref<8x2048xf32, #tpu.memory_space<vmem>>, vector<1x128xf32>,
    %get3A_489 = arith.constant 0 : index
    %get3A_490 = arith.constant 896 : index
    %get3A_491 = vector.load %arg2[%get3A_489, %get3A_490] : memref<8x2048xf32, #tpu.memory_space<vmem>>, vector<1x128xf32>
    %get3A_492 = arith.constant 1 : index
    %get3A_493 = arith.constant 896 : index
    %get3A_494 = vector.load %arg2[%get3A_492, %get3A_493] : memref<8x2048xf32, #tpu.memory_space<vmem>>, vector<1x128xf32>
    %get3A_495 = arith.constant 2 : index
    %get3A_496 = arith.constant 896 : index
    %get3A_497 = vector.load %arg2[%get3A_495, %get3A_496] : memref<8x2048xf32, #tpu.memory_space<vmem>>, vector<1x128xf32>
    %get3A_498 = arith.constant 3 : index
    %get3A_499 = arith.constant 896 : index
    %get3A_500 = vector.load %arg2[%get3A_498, %get3A_499] : memref<8x2048xf32, #tpu.memory_space<vmem>>, vector<1x128xf32>
    %sub3A_501 = arith.subf %get3A_497, %get3A_491 : vector<1x128xf32>
    %sub3A_502 = arith.subf %get3A_500, %get3A_494 : vector<1x128xf32>
    %mul3A_503 = arith.mulf %sub3A_501, %sub3A_502 : vector<1x128xf32>
    %min3A_504 = vector.broadcast %get3A_7 : vector<2048x1xf32> to vector<2048x128xf32>
    %min3A_505 = vector.broadcast %get3A_497 : vector<1x128xf32> to vector<2048x128xf32>
    %min3A_506 = arith.minimumf %min3A_504, %min3A_505 : vector<2048x128xf32>
    %max3A_507 = vector.broadcast %get3A_1 : vector<2048x1xf32> to vector<2048x128xf32>
    %max3A_508 = vector.broadcast %get3A_491 : vector<1x128xf32> to vector<2048x128xf32>
    %max3A_509 = arith.maximumf %max3A_507, %max3A_508 : vector<2048x128xf32>
    %sub3A_510 = arith.subf %min3A_506, %max3A_509 : vector<2048x128xf32>
    %max3A_511 = arith.constant 0.000000e+00 : f32
    %max3A_512 = vector.broadcast %max3A_511 : f32 to vector<2048x128xf32>
    %max3A_513 = arith.maximumf %sub3A_510, %max3A_512 : vector<2048x128xf32>
    %min3A_514 = vector.broadcast %get3A_10 : vector<2048x1xf32> to vector<2048x128xf32>
    %min3A_515 = vector.broadcast %get3A_500 : vector<1x128xf32> to vector<2048x128xf32>
    %min3A_516 = arith.minimumf %min3A_514, %min3A_515 : vector<2048x128xf32>
    %max3A_517 = vector.broadcast %get3A_4 : vector<2048x1xf32> to vector<2048x128xf32>
    %max3A_518 = vector.broadcast %get3A_494 : vector<1x128xf32> to vector<2048x128xf32>
    %max3A_519 = arith.maximumf %max3A_517, %max3A_518 : vector<2048x128xf32>
    %sub3A_520 = arith.subf %min3A_516, %max3A_519 : vector<2048x128xf32>
    %max3A_521 = arith.constant 0.000000e+00 : f32
    %max3A_522 = vector.broadcast %max3A_521 : f32 to vector<2048x128xf32>
    %max3A_523 = arith.maximumf %sub3A_520, %max3A_522 : vector<2048x128xf32>
    %mul3A_524 = arith.mulf %max3A_513, %max3A_523 : vector<2048x128xf32>
    %add3A_525 = vector.broadcast %mul3A : vector<2048x1xf32> to vector<2048x128xf32>
    %add3A_526 = vector.broadcast %mul3A_503 : vector<1x128xf32> to vector<2048x128xf32>
    %add3A_527 = arith.addf %add3A_525, %add3A_526 : vector<2048x128xf32>
    %sub3A_528 = arith.subf %add3A_527, %mul3A_524 : vector<2048x128xf32>
    %add3A_529 = arith.constant 9.99999971E-10 : f32
    %add3A_530 = vector.broadcast %add3A_529 : f32 to vector<2048x128xf32>
    %add3A_531 = arith.addf %sub3A_528, %add3A_530 : vector<2048x128xf32>
    %mul3A_532 = arith.constant 0.699999988 : f32
    %mul3A_533 = vector.broadcast %mul3A_532 : f32 to vector<2048x128xf32>
    %mul3A_534 = arith.mulf %mul3A_533, %add3A_531 : vector<2048x128xf32>
    %gt3A_535 = arith.cmpf ogt, %mul3A_524, %mul3A_534 : vector<2048x128xf32>
    %convert_element_type3A_536 = arith.extui %gt3A_535 : vector<2048x128xi1> to vector<2048x128xi32>
    %convert_element_type3A_537 = arith.sitofp %convert_element_type3A_536 : vector<2048x128xi32> to vector<2048x128xf32>
    %get3A_538 = arith.constant 0 : index
    %get3A_539 = arith.constant 0 : index
    %get3A_540 = vector.load %arg4[%get3A_538, %get3A_539] : memref<8x2048xf32, #tpu.memory_space<vmem>>, vector<1x2048xf32>
    %dot_general3A_541 = arith.constant dense<0.000000e+00> : vector<1x128xf32>
    %dot_general3A_542 = tpu.matmul %get3A_540, %convert_element_type3A_537, %dot_general3A_541 {dimension_numbers = #tpu.dot_dimension_numbers<[1], [0], [0], [1], [0, 0, 1, 1], [], []>, transpose_lhs_hint = false} : vector<1x2048xf32>, vector<2048x128xf32>, vector<1x128xf32> -> vector<1x128xf32>
    %slice3A_543 = vector.extract_strided_slice %convert_element_type3A_537 {offsets = [896, 0], sizes = [128, 128], strides = [1, 1]} : vector<2048x128xf32> to vector<128x128xf32>
    %swap3A_544 = arith.constant 0 : index
    %swap3A_545 = arith.constant 0 : index
    %swap3A_546 = vector.load %arg5[%swap3A_544, %swap3A_545] : memref<128x128xf32, #tpu.memory_space<vmem>>, vector<128x128xf32>
    tpu.vector_store %arg5[%swap3A_544, %swap3A_545], %slice3A_543 {strides = array<i32>} : memref<128x128xf32, #tpu.memory_space<vmem>>, vector<128x128xf32>,
    %gt3A_547 = arith.constant 5.000000e-01 : f32
    %gt3A_548 = vector.broadcast %gt3A_547 : f32 to vector<1x128xf32>
    %gt3A_549 = arith.cmpf ogt, %dot_general3A_542, %gt3A_548 : vector<1x128xf32>
    %jit3A_550 = arith.constant 0.000000e+00 : f32
    %jit3A_551 = arith.constant 1.000000e+00 : f32
    %broadcast_in_dim3A_552 = vector.broadcast %jit3A_550 : f32 to vector<1x128xf32>
    %broadcast_in_dim3A_553 = vector.broadcast %jit3A_551 : f32 to vector<1x128xf32>
    %select_n3A_554 = arith.select %gt3A_549, %broadcast_in_dim3A_552, %broadcast_in_dim3A_553 : vector<1x128xi1>, vector<1x128xf32>
    %swap3A_555 = arith.constant 0 : index
    %swap3A_556 = arith.constant 896 : index
    %swap3A_557 = vector.load %arg4[%swap3A_555, %swap3A_556] : memref<8x2048xf32, #tpu.memory_space<vmem>>, vector<1x128xf32>
    tpu.vector_store %arg4[%swap3A_555, %swap3A_556], %select_n3A_554 {strides = array<i32>} : memref<8x2048xf32, #tpu.memory_space<vmem>>, vector<1x128xf32>,
    %get3A_558 = arith.constant 0 : index
    %get3A_559 = arith.constant 1024 : index
    %get3A_560 = vector.load %arg2[%get3A_558, %get3A_559] : memref<8x2048xf32, #tpu.memory_space<vmem>>, vector<1x128xf32>
    %get3A_561 = arith.constant 1 : index
    %get3A_562 = arith.constant 1024 : index
    %get3A_563 = vector.load %arg2[%get3A_561, %get3A_562] : memref<8x2048xf32, #tpu.memory_space<vmem>>, vector<1x128xf32>
    %get3A_564 = arith.constant 2 : index
    %get3A_565 = arith.constant 1024 : index
    %get3A_566 = vector.load %arg2[%get3A_564, %get3A_565] : memref<8x2048xf32, #tpu.memory_space<vmem>>, vector<1x128xf32>
    %get3A_567 = arith.constant 3 : index
    %get3A_568 = arith.constant 1024 : index
    %get3A_569 = vector.load %arg2[%get3A_567, %get3A_568] : memref<8x2048xf32, #tpu.memory_space<vmem>>, vector<1x128xf32>
    %sub3A_570 = arith.subf %get3A_566, %get3A_560 : vector<1x128xf32>
    %sub3A_571 = arith.subf %get3A_569, %get3A_563 : vector<1x128xf32>
    %mul3A_572 = arith.mulf %sub3A_570, %sub3A_571 : vector<1x128xf32>
    %min3A_573 = vector.broadcast %get3A_7 : vector<2048x1xf32> to vector<2048x128xf32>
    %min3A_574 = vector.broadcast %get3A_566 : vector<1x128xf32> to vector<2048x128xf32>
    %min3A_575 = arith.minimumf %min3A_573, %min3A_574 : vector<2048x128xf32>
    %max3A_576 = vector.broadcast %get3A_1 : vector<2048x1xf32> to vector<2048x128xf32>
    %max3A_577 = vector.broadcast %get3A_560 : vector<1x128xf32> to vector<2048x128xf32>
    %max3A_578 = arith.maximumf %max3A_576, %max3A_577 : vector<2048x128xf32>
    %sub3A_579 = arith.subf %min3A_575, %max3A_578 : vector<2048x128xf32>
    %max3A_580 = arith.constant 0.000000e+00 : f32
    %max3A_581 = vector.broadcast %max3A_580 : f32 to vector<2048x128xf32>
    %max3A_582 = arith.maximumf %sub3A_579, %max3A_581 : vector<2048x128xf32>
    %min3A_583 = vector.broadcast %get3A_10 : vector<2048x1xf32> to vector<2048x128xf32>
    %min3A_584 = vector.broadcast %get3A_569 : vector<1x128xf32> to vector<2048x128xf32>
    %min3A_585 = arith.minimumf %min3A_583, %min3A_584 : vector<2048x128xf32>
    %max3A_586 = vector.broadcast %get3A_4 : vector<2048x1xf32> to vector<2048x128xf32>
    %max3A_587 = vector.broadcast %get3A_563 : vector<1x128xf32> to vector<2048x128xf32>
    %max3A_588 = arith.maximumf %max3A_586, %max3A_587 : vector<2048x128xf32>
    %sub3A_589 = arith.subf %min3A_585, %max3A_588 : vector<2048x128xf32>
    %max3A_590 = arith.constant 0.000000e+00 : f32
    %max3A_591 = vector.broadcast %max3A_590 : f32 to vector<2048x128xf32>
    %max3A_592 = arith.maximumf %sub3A_589, %max3A_591 : vector<2048x128xf32>
    %mul3A_593 = arith.mulf %max3A_582, %max3A_592 : vector<2048x128xf32>
    %add3A_594 = vector.broadcast %mul3A : vector<2048x1xf32> to vector<2048x128xf32>
    %add3A_595 = vector.broadcast %mul3A_572 : vector<1x128xf32> to vector<2048x128xf32>
    %add3A_596 = arith.addf %add3A_594, %add3A_595 : vector<2048x128xf32>
    %sub3A_597 = arith.subf %add3A_596, %mul3A_593 : vector<2048x128xf32>
    %add3A_598 = arith.constant 9.99999971E-10 : f32
    %add3A_599 = vector.broadcast %add3A_598 : f32 to vector<2048x128xf32>
    %add3A_600 = arith.addf %sub3A_597, %add3A_599 : vector<2048x128xf32>
    %mul3A_601 = arith.constant 0.699999988 : f32
    %mul3A_602 = vector.broadcast %mul3A_601 : f32 to vector<2048x128xf32>
    %mul3A_603 = arith.mulf %mul3A_602, %add3A_600 : vector<2048x128xf32>
    %gt3A_604 = arith.cmpf ogt, %mul3A_593, %mul3A_603 : vector<2048x128xf32>
    %convert_element_type3A_605 = arith.extui %gt3A_604 : vector<2048x128xi1> to vector<2048x128xi32>
    %convert_element_type3A_606 = arith.sitofp %convert_element_type3A_605 : vector<2048x128xi32> to vector<2048x128xf32>
    %get3A_607 = arith.constant 0 : index
    %get3A_608 = arith.constant 0 : index
    %get3A_609 = vector.load %arg4[%get3A_607, %get3A_608] : memref<8x2048xf32, #tpu.memory_space<vmem>>, vector<1x2048xf32>
    %dot_general3A_610 = arith.constant dense<0.000000e+00> : vector<1x128xf32>
    %dot_general3A_611 = tpu.matmul %get3A_609, %convert_element_type3A_606, %dot_general3A_610 {dimension_numbers = #tpu.dot_dimension_numbers<[1], [0], [0], [1], [0, 0, 1, 1], [], []>, transpose_lhs_hint = false} : vector<1x2048xf32>, vector<2048x128xf32>, vector<1x128xf32> -> vector<1x128xf32>
    %slice3A_612 = vector.extract_strided_slice %convert_element_type3A_606 {offsets = [1024, 0], sizes = [128, 128], strides = [1, 1]} : vector<2048x128xf32> to vector<128x128xf32>
    %swap3A_613 = arith.constant 0 : index
    %swap3A_614 = arith.constant 0 : index
    %swap3A_615 = vector.load %arg5[%swap3A_613, %swap3A_614] : memref<128x128xf32, #tpu.memory_space<vmem>>, vector<128x128xf32>
    tpu.vector_store %arg5[%swap3A_613, %swap3A_614], %slice3A_612 {strides = array<i32>} : memref<128x128xf32, #tpu.memory_space<vmem>>, vector<128x128xf32>,
    %gt3A_616 = arith.constant 5.000000e-01 : f32
    %gt3A_617 = vector.broadcast %gt3A_616 : f32 to vector<1x128xf32>
    %gt3A_618 = arith.cmpf ogt, %dot_general3A_611, %gt3A_617 : vector<1x128xf32>
    %jit3A_619 = arith.constant 0.000000e+00 : f32
    %jit3A_620 = arith.constant 1.000000e+00 : f32
    %broadcast_in_dim3A_621 = vector.broadcast %jit3A_619 : f32 to vector<1x128xf32>
    %broadcast_in_dim3A_622 = vector.broadcast %jit3A_620 : f32 to vector<1x128xf32>
    %select_n3A_623 = arith.select %gt3A_618, %broadcast_in_dim3A_621, %broadcast_in_dim3A_622 : vector<1x128xi1>, vector<1x128xf32>
    %swap3A_624 = arith.constant 0 : index
    %swap3A_625 = arith.constant 1024 : index
    %swap3A_626 = vector.load %arg4[%swap3A_624, %swap3A_625] : memref<8x2048xf32, #tpu.memory_space<vmem>>, vector<1x128xf32>
    tpu.vector_store %arg4[%swap3A_624, %swap3A_625], %select_n3A_623 {strides = array<i32>} : memref<8x2048xf32, #tpu.memory_space<vmem>>, vector<1x128xf32>,
    %get3A_627 = arith.constant 0 : index
    %get3A_628 = arith.constant 1152 : index
    %get3A_629 = vector.load %arg2[%get3A_627, %get3A_628] : memref<8x2048xf32, #tpu.memory_space<vmem>>, vector<1x128xf32>
    %get3A_630 = arith.constant 1 : index
    %get3A_631 = arith.constant 1152 : index
    %get3A_632 = vector.load %arg2[%get3A_630, %get3A_631] : memref<8x2048xf32, #tpu.memory_space<vmem>>, vector<1x128xf32>
    %get3A_633 = arith.constant 2 : index
    %get3A_634 = arith.constant 1152 : index
    %get3A_635 = vector.load %arg2[%get3A_633, %get3A_634] : memref<8x2048xf32, #tpu.memory_space<vmem>>, vector<1x128xf32>
    %get3A_636 = arith.constant 3 : index
    %get3A_637 = arith.constant 1152 : index
    %get3A_638 = vector.load %arg2[%get3A_636, %get3A_637] : memref<8x2048xf32, #tpu.memory_space<vmem>>, vector<1x128xf32>
    %sub3A_639 = arith.subf %get3A_635, %get3A_629 : vector<1x128xf32>
    %sub3A_640 = arith.subf %get3A_638, %get3A_632 : vector<1x128xf32>
    %mul3A_641 = arith.mulf %sub3A_639, %sub3A_640 : vector<1x128xf32>
    %min3A_642 = vector.broadcast %get3A_7 : vector<2048x1xf32> to vector<2048x128xf32>
    %min3A_643 = vector.broadcast %get3A_635 : vector<1x128xf32> to vector<2048x128xf32>
    %min3A_644 = arith.minimumf %min3A_642, %min3A_643 : vector<2048x128xf32>
    %max3A_645 = vector.broadcast %get3A_1 : vector<2048x1xf32> to vector<2048x128xf32>
    %max3A_646 = vector.broadcast %get3A_629 : vector<1x128xf32> to vector<2048x128xf32>
    %max3A_647 = arith.maximumf %max3A_645, %max3A_646 : vector<2048x128xf32>
    %sub3A_648 = arith.subf %min3A_644, %max3A_647 : vector<2048x128xf32>
    %max3A_649 = arith.constant 0.000000e+00 : f32
    %max3A_650 = vector.broadcast %max3A_649 : f32 to vector<2048x128xf32>
    %max3A_651 = arith.maximumf %sub3A_648, %max3A_650 : vector<2048x128xf32>
    %min3A_652 = vector.broadcast %get3A_10 : vector<2048x1xf32> to vector<2048x128xf32>
    %min3A_653 = vector.broadcast %get3A_638 : vector<1x128xf32> to vector<2048x128xf32>
    %min3A_654 = arith.minimumf %min3A_652, %min3A_653 : vector<2048x128xf32>
    %max3A_655 = vector.broadcast %get3A_4 : vector<2048x1xf32> to vector<2048x128xf32>
    %max3A_656 = vector.broadcast %get3A_632 : vector<1x128xf32> to vector<2048x128xf32>
    %max3A_657 = arith.maximumf %max3A_655, %max3A_656 : vector<2048x128xf32>
    %sub3A_658 = arith.subf %min3A_654, %max3A_657 : vector<2048x128xf32>
    %max3A_659 = arith.constant 0.000000e+00 : f32
    %max3A_660 = vector.broadcast %max3A_659 : f32 to vector<2048x128xf32>
    %max3A_661 = arith.maximumf %sub3A_658, %max3A_660 : vector<2048x128xf32>
    %mul3A_662 = arith.mulf %max3A_651, %max3A_661 : vector<2048x128xf32>
    %add3A_663 = vector.broadcast %mul3A : vector<2048x1xf32> to vector<2048x128xf32>
    %add3A_664 = vector.broadcast %mul3A_641 : vector<1x128xf32> to vector<2048x128xf32>
    %add3A_665 = arith.addf %add3A_663, %add3A_664 : vector<2048x128xf32>
    %sub3A_666 = arith.subf %add3A_665, %mul3A_662 : vector<2048x128xf32>
    %add3A_667 = arith.constant 9.99999971E-10 : f32
    %add3A_668 = vector.broadcast %add3A_667 : f32 to vector<2048x128xf32>
    %add3A_669 = arith.addf %sub3A_666, %add3A_668 : vector<2048x128xf32>
    %mul3A_670 = arith.constant 0.699999988 : f32
    %mul3A_671 = vector.broadcast %mul3A_670 : f32 to vector<2048x128xf32>
    %mul3A_672 = arith.mulf %mul3A_671, %add3A_669 : vector<2048x128xf32>
    %gt3A_673 = arith.cmpf ogt, %mul3A_662, %mul3A_672 : vector<2048x128xf32>
    %convert_element_type3A_674 = arith.extui %gt3A_673 : vector<2048x128xi1> to vector<2048x128xi32>
    %convert_element_type3A_675 = arith.sitofp %convert_element_type3A_674 : vector<2048x128xi32> to vector<2048x128xf32>
    %get3A_676 = arith.constant 0 : index
    %get3A_677 = arith.constant 0 : index
    %get3A_678 = vector.load %arg4[%get3A_676, %get3A_677] : memref<8x2048xf32, #tpu.memory_space<vmem>>, vector<1x2048xf32>
    %dot_general3A_679 = arith.constant dense<0.000000e+00> : vector<1x128xf32>
    %dot_general3A_680 = tpu.matmul %get3A_678, %convert_element_type3A_675, %dot_general3A_679 {dimension_numbers = #tpu.dot_dimension_numbers<[1], [0], [0], [1], [0, 0, 1, 1], [], []>, transpose_lhs_hint = false} : vector<1x2048xf32>, vector<2048x128xf32>, vector<1x128xf32> -> vector<1x128xf32>
    %slice3A_681 = vector.extract_strided_slice %convert_element_type3A_675 {offsets = [1152, 0], sizes = [128, 128], strides = [1, 1]} : vector<2048x128xf32> to vector<128x128xf32>
    %swap3A_682 = arith.constant 0 : index
    %swap3A_683 = arith.constant 0 : index
    %swap3A_684 = vector.load %arg5[%swap3A_682, %swap3A_683] : memref<128x128xf32, #tpu.memory_space<vmem>>, vector<128x128xf32>
    tpu.vector_store %arg5[%swap3A_682, %swap3A_683], %slice3A_681 {strides = array<i32>} : memref<128x128xf32, #tpu.memory_space<vmem>>, vector<128x128xf32>,
    %gt3A_685 = arith.constant 5.000000e-01 : f32
    %gt3A_686 = vector.broadcast %gt3A_685 : f32 to vector<1x128xf32>
    %gt3A_687 = arith.cmpf ogt, %dot_general3A_680, %gt3A_686 : vector<1x128xf32>
    %jit3A_688 = arith.constant 0.000000e+00 : f32
    %jit3A_689 = arith.constant 1.000000e+00 : f32
    %broadcast_in_dim3A_690 = vector.broadcast %jit3A_688 : f32 to vector<1x128xf32>
    %broadcast_in_dim3A_691 = vector.broadcast %jit3A_689 : f32 to vector<1x128xf32>
    %select_n3A_692 = arith.select %gt3A_687, %broadcast_in_dim3A_690, %broadcast_in_dim3A_691 : vector<1x128xi1>, vector<1x128xf32>
    %swap3A_693 = arith.constant 0 : index
    %swap3A_694 = arith.constant 1152 : index
    %swap3A_695 = vector.load %arg4[%swap3A_693, %swap3A_694] : memref<8x2048xf32, #tpu.memory_space<vmem>>, vector<1x128xf32>
    tpu.vector_store %arg4[%swap3A_693, %swap3A_694], %select_n3A_692 {strides = array<i32>} : memref<8x2048xf32, #tpu.memory_space<vmem>>, vector<1x128xf32>,
    %get3A_696 = arith.constant 0 : index
    %get3A_697 = arith.constant 1280 : index
    %get3A_698 = vector.load %arg2[%get3A_696, %get3A_697] : memref<8x2048xf32, #tpu.memory_space<vmem>>, vector<1x128xf32>
    %get3A_699 = arith.constant 1 : index
    %get3A_700 = arith.constant 1280 : index
    %get3A_701 = vector.load %arg2[%get3A_699, %get3A_700] : memref<8x2048xf32, #tpu.memory_space<vmem>>, vector<1x128xf32>
    %get3A_702 = arith.constant 2 : index
    %get3A_703 = arith.constant 1280 : index
    %get3A_704 = vector.load %arg2[%get3A_702, %get3A_703] : memref<8x2048xf32, #tpu.memory_space<vmem>>, vector<1x128xf32>
    %get3A_705 = arith.constant 3 : index
    %get3A_706 = arith.constant 1280 : index
    %get3A_707 = vector.load %arg2[%get3A_705, %get3A_706] : memref<8x2048xf32, #tpu.memory_space<vmem>>, vector<1x128xf32>
    %sub3A_708 = arith.subf %get3A_704, %get3A_698 : vector<1x128xf32>
    %sub3A_709 = arith.subf %get3A_707, %get3A_701 : vector<1x128xf32>
    %mul3A_710 = arith.mulf %sub3A_708, %sub3A_709 : vector<1x128xf32>
    %min3A_711 = vector.broadcast %get3A_7 : vector<2048x1xf32> to vector<2048x128xf32>
    %min3A_712 = vector.broadcast %get3A_704 : vector<1x128xf32> to vector<2048x128xf32>
    %min3A_713 = arith.minimumf %min3A_711, %min3A_712 : vector<2048x128xf32>
    %max3A_714 = vector.broadcast %get3A_1 : vector<2048x1xf32> to vector<2048x128xf32>
    %max3A_715 = vector.broadcast %get3A_698 : vector<1x128xf32> to vector<2048x128xf32>
    %max3A_716 = arith.maximumf %max3A_714, %max3A_715 : vector<2048x128xf32>
    %sub3A_717 = arith.subf %min3A_713, %max3A_716 : vector<2048x128xf32>
    %max3A_718 = arith.constant 0.000000e+00 : f32
    %max3A_719 = vector.broadcast %max3A_718 : f32 to vector<2048x128xf32>
    %max3A_720 = arith.maximumf %sub3A_717, %max3A_719 : vector<2048x128xf32>
    %min3A_721 = vector.broadcast %get3A_10 : vector<2048x1xf32> to vector<2048x128xf32>
    %min3A_722 = vector.broadcast %get3A_707 : vector<1x128xf32> to vector<2048x128xf32>
    %min3A_723 = arith.minimumf %min3A_721, %min3A_722 : vector<2048x128xf32>
    %max3A_724 = vector.broadcast %get3A_4 : vector<2048x1xf32> to vector<2048x128xf32>
    %max3A_725 = vector.broadcast %get3A_701 : vector<1x128xf32> to vector<2048x128xf32>
    %max3A_726 = arith.maximumf %max3A_724, %max3A_725 : vector<2048x128xf32>
    %sub3A_727 = arith.subf %min3A_723, %max3A_726 : vector<2048x128xf32>
    %max3A_728 = arith.constant 0.000000e+00 : f32
    %max3A_729 = vector.broadcast %max3A_728 : f32 to vector<2048x128xf32>
    %max3A_730 = arith.maximumf %sub3A_727, %max3A_729 : vector<2048x128xf32>
    %mul3A_731 = arith.mulf %max3A_720, %max3A_730 : vector<2048x128xf32>
    %add3A_732 = vector.broadcast %mul3A : vector<2048x1xf32> to vector<2048x128xf32>
    %add3A_733 = vector.broadcast %mul3A_710 : vector<1x128xf32> to vector<2048x128xf32>
    %add3A_734 = arith.addf %add3A_732, %add3A_733 : vector<2048x128xf32>
    %sub3A_735 = arith.subf %add3A_734, %mul3A_731 : vector<2048x128xf32>
    %add3A_736 = arith.constant 9.99999971E-10 : f32
    %add3A_737 = vector.broadcast %add3A_736 : f32 to vector<2048x128xf32>
    %add3A_738 = arith.addf %sub3A_735, %add3A_737 : vector<2048x128xf32>
    %mul3A_739 = arith.constant 0.699999988 : f32
    %mul3A_740 = vector.broadcast %mul3A_739 : f32 to vector<2048x128xf32>
    %mul3A_741 = arith.mulf %mul3A_740, %add3A_738 : vector<2048x128xf32>
    %gt3A_742 = arith.cmpf ogt, %mul3A_731, %mul3A_741 : vector<2048x128xf32>
    %convert_element_type3A_743 = arith.extui %gt3A_742 : vector<2048x128xi1> to vector<2048x128xi32>
    %convert_element_type3A_744 = arith.sitofp %convert_element_type3A_743 : vector<2048x128xi32> to vector<2048x128xf32>
    %get3A_745 = arith.constant 0 : index
    %get3A_746 = arith.constant 0 : index
    %get3A_747 = vector.load %arg4[%get3A_745, %get3A_746] : memref<8x2048xf32, #tpu.memory_space<vmem>>, vector<1x2048xf32>
    %dot_general3A_748 = arith.constant dense<0.000000e+00> : vector<1x128xf32>
    %dot_general3A_749 = tpu.matmul %get3A_747, %convert_element_type3A_744, %dot_general3A_748 {dimension_numbers = #tpu.dot_dimension_numbers<[1], [0], [0], [1], [0, 0, 1, 1], [], []>, transpose_lhs_hint = false} : vector<1x2048xf32>, vector<2048x128xf32>, vector<1x128xf32> -> vector<1x128xf32>
    %slice3A_750 = vector.extract_strided_slice %convert_element_type3A_744 {offsets = [1280, 0], sizes = [128, 128], strides = [1, 1]} : vector<2048x128xf32> to vector<128x128xf32>
    %swap3A_751 = arith.constant 0 : index
    %swap3A_752 = arith.constant 0 : index
    %swap3A_753 = vector.load %arg5[%swap3A_751, %swap3A_752] : memref<128x128xf32, #tpu.memory_space<vmem>>, vector<128x128xf32>
    tpu.vector_store %arg5[%swap3A_751, %swap3A_752], %slice3A_750 {strides = array<i32>} : memref<128x128xf32, #tpu.memory_space<vmem>>, vector<128x128xf32>,
    %gt3A_754 = arith.constant 5.000000e-01 : f32
    %gt3A_755 = vector.broadcast %gt3A_754 : f32 to vector<1x128xf32>
    %gt3A_756 = arith.cmpf ogt, %dot_general3A_749, %gt3A_755 : vector<1x128xf32>
    %jit3A_757 = arith.constant 0.000000e+00 : f32
    %jit3A_758 = arith.constant 1.000000e+00 : f32
    %broadcast_in_dim3A_759 = vector.broadcast %jit3A_757 : f32 to vector<1x128xf32>
    %broadcast_in_dim3A_760 = vector.broadcast %jit3A_758 : f32 to vector<1x128xf32>
    %select_n3A_761 = arith.select %gt3A_756, %broadcast_in_dim3A_759, %broadcast_in_dim3A_760 : vector<1x128xi1>, vector<1x128xf32>
    %swap3A_762 = arith.constant 0 : index
    %swap3A_763 = arith.constant 1280 : index
    %swap3A_764 = vector.load %arg4[%swap3A_762, %swap3A_763] : memref<8x2048xf32, #tpu.memory_space<vmem>>, vector<1x128xf32>
    tpu.vector_store %arg4[%swap3A_762, %swap3A_763], %select_n3A_761 {strides = array<i32>} : memref<8x2048xf32, #tpu.memory_space<vmem>>, vector<1x128xf32>,
    %get3A_765 = arith.constant 0 : index
    %get3A_766 = arith.constant 1408 : index
    %get3A_767 = vector.load %arg2[%get3A_765, %get3A_766] : memref<8x2048xf32, #tpu.memory_space<vmem>>, vector<1x128xf32>
    %get3A_768 = arith.constant 1 : index
    %get3A_769 = arith.constant 1408 : index
    %get3A_770 = vector.load %arg2[%get3A_768, %get3A_769] : memref<8x2048xf32, #tpu.memory_space<vmem>>, vector<1x128xf32>
    %get3A_771 = arith.constant 2 : index
    %get3A_772 = arith.constant 1408 : index
    %get3A_773 = vector.load %arg2[%get3A_771, %get3A_772] : memref<8x2048xf32, #tpu.memory_space<vmem>>, vector<1x128xf32>
    %get3A_774 = arith.constant 3 : index
    %get3A_775 = arith.constant 1408 : index
    %get3A_776 = vector.load %arg2[%get3A_774, %get3A_775] : memref<8x2048xf32, #tpu.memory_space<vmem>>, vector<1x128xf32>
    %sub3A_777 = arith.subf %get3A_773, %get3A_767 : vector<1x128xf32>
    %sub3A_778 = arith.subf %get3A_776, %get3A_770 : vector<1x128xf32>
    %mul3A_779 = arith.mulf %sub3A_777, %sub3A_778 : vector<1x128xf32>
    %min3A_780 = vector.broadcast %get3A_7 : vector<2048x1xf32> to vector<2048x128xf32>
    %min3A_781 = vector.broadcast %get3A_773 : vector<1x128xf32> to vector<2048x128xf32>
    %min3A_782 = arith.minimumf %min3A_780, %min3A_781 : vector<2048x128xf32>
    %max3A_783 = vector.broadcast %get3A_1 : vector<2048x1xf32> to vector<2048x128xf32>
    %max3A_784 = vector.broadcast %get3A_767 : vector<1x128xf32> to vector<2048x128xf32>
    %max3A_785 = arith.maximumf %max3A_783, %max3A_784 : vector<2048x128xf32>
    %sub3A_786 = arith.subf %min3A_782, %max3A_785 : vector<2048x128xf32>
    %max3A_787 = arith.constant 0.000000e+00 : f32
    %max3A_788 = vector.broadcast %max3A_787 : f32 to vector<2048x128xf32>
    %max3A_789 = arith.maximumf %sub3A_786, %max3A_788 : vector<2048x128xf32>
    %min3A_790 = vector.broadcast %get3A_10 : vector<2048x1xf32> to vector<2048x128xf32>
    %min3A_791 = vector.broadcast %get3A_776 : vector<1x128xf32> to vector<2048x128xf32>
    %min3A_792 = arith.minimumf %min3A_790, %min3A_791 : vector<2048x128xf32>
    %max3A_793 = vector.broadcast %get3A_4 : vector<2048x1xf32> to vector<2048x128xf32>
    %max3A_794 = vector.broadcast %get3A_770 : vector<1x128xf32> to vector<2048x128xf32>
    %max3A_795 = arith.maximumf %max3A_793, %max3A_794 : vector<2048x128xf32>
    %sub3A_796 = arith.subf %min3A_792, %max3A_795 : vector<2048x128xf32>
    %max3A_797 = arith.constant 0.000000e+00 : f32
    %max3A_798 = vector.broadcast %max3A_797 : f32 to vector<2048x128xf32>
    %max3A_799 = arith.maximumf %sub3A_796, %max3A_798 : vector<2048x128xf32>
    %mul3A_800 = arith.mulf %max3A_789, %max3A_799 : vector<2048x128xf32>
    %add3A_801 = vector.broadcast %mul3A : vector<2048x1xf32> to vector<2048x128xf32>
    %add3A_802 = vector.broadcast %mul3A_779 : vector<1x128xf32> to vector<2048x128xf32>
    %add3A_803 = arith.addf %add3A_801, %add3A_802 : vector<2048x128xf32>
    %sub3A_804 = arith.subf %add3A_803, %mul3A_800 : vector<2048x128xf32>
    %add3A_805 = arith.constant 9.99999971E-10 : f32
    %add3A_806 = vector.broadcast %add3A_805 : f32 to vector<2048x128xf32>
    %add3A_807 = arith.addf %sub3A_804, %add3A_806 : vector<2048x128xf32>
    %mul3A_808 = arith.constant 0.699999988 : f32
    %mul3A_809 = vector.broadcast %mul3A_808 : f32 to vector<2048x128xf32>
    %mul3A_810 = arith.mulf %mul3A_809, %add3A_807 : vector<2048x128xf32>
    %gt3A_811 = arith.cmpf ogt, %mul3A_800, %mul3A_810 : vector<2048x128xf32>
    %convert_element_type3A_812 = arith.extui %gt3A_811 : vector<2048x128xi1> to vector<2048x128xi32>
    %convert_element_type3A_813 = arith.sitofp %convert_element_type3A_812 : vector<2048x128xi32> to vector<2048x128xf32>
    %get3A_814 = arith.constant 0 : index
    %get3A_815 = arith.constant 0 : index
    %get3A_816 = vector.load %arg4[%get3A_814, %get3A_815] : memref<8x2048xf32, #tpu.memory_space<vmem>>, vector<1x2048xf32>
    %dot_general3A_817 = arith.constant dense<0.000000e+00> : vector<1x128xf32>
    %dot_general3A_818 = tpu.matmul %get3A_816, %convert_element_type3A_813, %dot_general3A_817 {dimension_numbers = #tpu.dot_dimension_numbers<[1], [0], [0], [1], [0, 0, 1, 1], [], []>, transpose_lhs_hint = false} : vector<1x2048xf32>, vector<2048x128xf32>, vector<1x128xf32> -> vector<1x128xf32>
    %slice3A_819 = vector.extract_strided_slice %convert_element_type3A_813 {offsets = [1408, 0], sizes = [128, 128], strides = [1, 1]} : vector<2048x128xf32> to vector<128x128xf32>
    %swap3A_820 = arith.constant 0 : index
    %swap3A_821 = arith.constant 0 : index
    %swap3A_822 = vector.load %arg5[%swap3A_820, %swap3A_821] : memref<128x128xf32, #tpu.memory_space<vmem>>, vector<128x128xf32>
    tpu.vector_store %arg5[%swap3A_820, %swap3A_821], %slice3A_819 {strides = array<i32>} : memref<128x128xf32, #tpu.memory_space<vmem>>, vector<128x128xf32>,
    %gt3A_823 = arith.constant 5.000000e-01 : f32
    %gt3A_824 = vector.broadcast %gt3A_823 : f32 to vector<1x128xf32>
    %gt3A_825 = arith.cmpf ogt, %dot_general3A_818, %gt3A_824 : vector<1x128xf32>
    %jit3A_826 = arith.constant 0.000000e+00 : f32
    %jit3A_827 = arith.constant 1.000000e+00 : f32
    %broadcast_in_dim3A_828 = vector.broadcast %jit3A_826 : f32 to vector<1x128xf32>
    %broadcast_in_dim3A_829 = vector.broadcast %jit3A_827 : f32 to vector<1x128xf32>
    %select_n3A_830 = arith.select %gt3A_825, %broadcast_in_dim3A_828, %broadcast_in_dim3A_829 : vector<1x128xi1>, vector<1x128xf32>
    %swap3A_831 = arith.constant 0 : index
    %swap3A_832 = arith.constant 1408 : index
    %swap3A_833 = vector.load %arg4[%swap3A_831, %swap3A_832] : memref<8x2048xf32, #tpu.memory_space<vmem>>, vector<1x128xf32>
    tpu.vector_store %arg4[%swap3A_831, %swap3A_832], %select_n3A_830 {strides = array<i32>} : memref<8x2048xf32, #tpu.memory_space<vmem>>, vector<1x128xf32>,
    %get3A_834 = arith.constant 0 : index
    %get3A_835 = arith.constant 1536 : index
    %get3A_836 = vector.load %arg2[%get3A_834, %get3A_835] : memref<8x2048xf32, #tpu.memory_space<vmem>>, vector<1x128xf32>
    %get3A_837 = arith.constant 1 : index
    %get3A_838 = arith.constant 1536 : index
    %get3A_839 = vector.load %arg2[%get3A_837, %get3A_838] : memref<8x2048xf32, #tpu.memory_space<vmem>>, vector<1x128xf32>
    %get3A_840 = arith.constant 2 : index
    %get3A_841 = arith.constant 1536 : index
    %get3A_842 = vector.load %arg2[%get3A_840, %get3A_841] : memref<8x2048xf32, #tpu.memory_space<vmem>>, vector<1x128xf32>
    %get3A_843 = arith.constant 3 : index
    %get3A_844 = arith.constant 1536 : index
    %get3A_845 = vector.load %arg2[%get3A_843, %get3A_844] : memref<8x2048xf32, #tpu.memory_space<vmem>>, vector<1x128xf32>
    %sub3A_846 = arith.subf %get3A_842, %get3A_836 : vector<1x128xf32>
    %sub3A_847 = arith.subf %get3A_845, %get3A_839 : vector<1x128xf32>
    %mul3A_848 = arith.mulf %sub3A_846, %sub3A_847 : vector<1x128xf32>
    %min3A_849 = vector.broadcast %get3A_7 : vector<2048x1xf32> to vector<2048x128xf32>
    %min3A_850 = vector.broadcast %get3A_842 : vector<1x128xf32> to vector<2048x128xf32>
    %min3A_851 = arith.minimumf %min3A_849, %min3A_850 : vector<2048x128xf32>
    %max3A_852 = vector.broadcast %get3A_1 : vector<2048x1xf32> to vector<2048x128xf32>
    %max3A_853 = vector.broadcast %get3A_836 : vector<1x128xf32> to vector<2048x128xf32>
    %max3A_854 = arith.maximumf %max3A_852, %max3A_853 : vector<2048x128xf32>
    %sub3A_855 = arith.subf %min3A_851, %max3A_854 : vector<2048x128xf32>
    %max3A_856 = arith.constant 0.000000e+00 : f32
    %max3A_857 = vector.broadcast %max3A_856 : f32 to vector<2048x128xf32>
    %max3A_858 = arith.maximumf %sub3A_855, %max3A_857 : vector<2048x128xf32>
    %min3A_859 = vector.broadcast %get3A_10 : vector<2048x1xf32> to vector<2048x128xf32>
    %min3A_860 = vector.broadcast %get3A_845 : vector<1x128xf32> to vector<2048x128xf32>
    %min3A_861 = arith.minimumf %min3A_859, %min3A_860 : vector<2048x128xf32>
    %max3A_862 = vector.broadcast %get3A_4 : vector<2048x1xf32> to vector<2048x128xf32>
    %max3A_863 = vector.broadcast %get3A_839 : vector<1x128xf32> to vector<2048x128xf32>
    %max3A_864 = arith.maximumf %max3A_862, %max3A_863 : vector<2048x128xf32>
    %sub3A_865 = arith.subf %min3A_861, %max3A_864 : vector<2048x128xf32>
    %max3A_866 = arith.constant 0.000000e+00 : f32
    %max3A_867 = vector.broadcast %max3A_866 : f32 to vector<2048x128xf32>
    %max3A_868 = arith.maximumf %sub3A_865, %max3A_867 : vector<2048x128xf32>
    %mul3A_869 = arith.mulf %max3A_858, %max3A_868 : vector<2048x128xf32>
    %add3A_870 = vector.broadcast %mul3A : vector<2048x1xf32> to vector<2048x128xf32>
    %add3A_871 = vector.broadcast %mul3A_848 : vector<1x128xf32> to vector<2048x128xf32>
    %add3A_872 = arith.addf %add3A_870, %add3A_871 : vector<2048x128xf32>
    %sub3A_873 = arith.subf %add3A_872, %mul3A_869 : vector<2048x128xf32>
    %add3A_874 = arith.constant 9.99999971E-10 : f32
    %add3A_875 = vector.broadcast %add3A_874 : f32 to vector<2048x128xf32>
    %add3A_876 = arith.addf %sub3A_873, %add3A_875 : vector<2048x128xf32>
    %mul3A_877 = arith.constant 0.699999988 : f32
    %mul3A_878 = vector.broadcast %mul3A_877 : f32 to vector<2048x128xf32>
    %mul3A_879 = arith.mulf %mul3A_878, %add3A_876 : vector<2048x128xf32>
    %gt3A_880 = arith.cmpf ogt, %mul3A_869, %mul3A_879 : vector<2048x128xf32>
    %convert_element_type3A_881 = arith.extui %gt3A_880 : vector<2048x128xi1> to vector<2048x128xi32>
    %convert_element_type3A_882 = arith.sitofp %convert_element_type3A_881 : vector<2048x128xi32> to vector<2048x128xf32>
    %get3A_883 = arith.constant 0 : index
    %get3A_884 = arith.constant 0 : index
    %get3A_885 = vector.load %arg4[%get3A_883, %get3A_884] : memref<8x2048xf32, #tpu.memory_space<vmem>>, vector<1x2048xf32>
    %dot_general3A_886 = arith.constant dense<0.000000e+00> : vector<1x128xf32>
    %dot_general3A_887 = tpu.matmul %get3A_885, %convert_element_type3A_882, %dot_general3A_886 {dimension_numbers = #tpu.dot_dimension_numbers<[1], [0], [0], [1], [0, 0, 1, 1], [], []>, transpose_lhs_hint = false} : vector<1x2048xf32>, vector<2048x128xf32>, vector<1x128xf32> -> vector<1x128xf32>
    %slice3A_888 = vector.extract_strided_slice %convert_element_type3A_882 {offsets = [1536, 0], sizes = [128, 128], strides = [1, 1]} : vector<2048x128xf32> to vector<128x128xf32>
    %swap3A_889 = arith.constant 0 : index
    %swap3A_890 = arith.constant 0 : index
    %swap3A_891 = vector.load %arg5[%swap3A_889, %swap3A_890] : memref<128x128xf32, #tpu.memory_space<vmem>>, vector<128x128xf32>
    tpu.vector_store %arg5[%swap3A_889, %swap3A_890], %slice3A_888 {strides = array<i32>} : memref<128x128xf32, #tpu.memory_space<vmem>>, vector<128x128xf32>,
    %gt3A_892 = arith.constant 5.000000e-01 : f32
    %gt3A_893 = vector.broadcast %gt3A_892 : f32 to vector<1x128xf32>
    %gt3A_894 = arith.cmpf ogt, %dot_general3A_887, %gt3A_893 : vector<1x128xf32>
    %jit3A_895 = arith.constant 0.000000e+00 : f32
    %jit3A_896 = arith.constant 1.000000e+00 : f32
    %broadcast_in_dim3A_897 = vector.broadcast %jit3A_895 : f32 to vector<1x128xf32>
    %broadcast_in_dim3A_898 = vector.broadcast %jit3A_896 : f32 to vector<1x128xf32>
    %select_n3A_899 = arith.select %gt3A_894, %broadcast_in_dim3A_897, %broadcast_in_dim3A_898 : vector<1x128xi1>, vector<1x128xf32>
    %swap3A_900 = arith.constant 0 : index
    %swap3A_901 = arith.constant 1536 : index
    %swap3A_902 = vector.load %arg4[%swap3A_900, %swap3A_901] : memref<8x2048xf32, #tpu.memory_space<vmem>>, vector<1x128xf32>
    tpu.vector_store %arg4[%swap3A_900, %swap3A_901], %select_n3A_899 {strides = array<i32>} : memref<8x2048xf32, #tpu.memory_space<vmem>>, vector<1x128xf32>,
    %get3A_903 = arith.constant 0 : index
    %get3A_904 = arith.constant 1664 : index
    %get3A_905 = vector.load %arg2[%get3A_903, %get3A_904] : memref<8x2048xf32, #tpu.memory_space<vmem>>, vector<1x128xf32>
    %get3A_906 = arith.constant 1 : index
    %get3A_907 = arith.constant 1664 : index
    %get3A_908 = vector.load %arg2[%get3A_906, %get3A_907] : memref<8x2048xf32, #tpu.memory_space<vmem>>, vector<1x128xf32>
    %get3A_909 = arith.constant 2 : index
    %get3A_910 = arith.constant 1664 : index
    %get3A_911 = vector.load %arg2[%get3A_909, %get3A_910] : memref<8x2048xf32, #tpu.memory_space<vmem>>, vector<1x128xf32>
    %get3A_912 = arith.constant 3 : index
    %get3A_913 = arith.constant 1664 : index
    %get3A_914 = vector.load %arg2[%get3A_912, %get3A_913] : memref<8x2048xf32, #tpu.memory_space<vmem>>, vector<1x128xf32>
    %sub3A_915 = arith.subf %get3A_911, %get3A_905 : vector<1x128xf32>
    %sub3A_916 = arith.subf %get3A_914, %get3A_908 : vector<1x128xf32>
    %mul3A_917 = arith.mulf %sub3A_915, %sub3A_916 : vector<1x128xf32>
    %min3A_918 = vector.broadcast %get3A_7 : vector<2048x1xf32> to vector<2048x128xf32>
    %min3A_919 = vector.broadcast %get3A_911 : vector<1x128xf32> to vector<2048x128xf32>
    %min3A_920 = arith.minimumf %min3A_918, %min3A_919 : vector<2048x128xf32>
    %max3A_921 = vector.broadcast %get3A_1 : vector<2048x1xf32> to vector<2048x128xf32>
    %max3A_922 = vector.broadcast %get3A_905 : vector<1x128xf32> to vector<2048x128xf32>
    %max3A_923 = arith.maximumf %max3A_921, %max3A_922 : vector<2048x128xf32>
    %sub3A_924 = arith.subf %min3A_920, %max3A_923 : vector<2048x128xf32>
    %max3A_925 = arith.constant 0.000000e+00 : f32
    %max3A_926 = vector.broadcast %max3A_925 : f32 to vector<2048x128xf32>
    %max3A_927 = arith.maximumf %sub3A_924, %max3A_926 : vector<2048x128xf32>
    %min3A_928 = vector.broadcast %get3A_10 : vector<2048x1xf32> to vector<2048x128xf32>
    %min3A_929 = vector.broadcast %get3A_914 : vector<1x128xf32> to vector<2048x128xf32>
    %min3A_930 = arith.minimumf %min3A_928, %min3A_929 : vector<2048x128xf32>
    %max3A_931 = vector.broadcast %get3A_4 : vector<2048x1xf32> to vector<2048x128xf32>
    %max3A_932 = vector.broadcast %get3A_908 : vector<1x128xf32> to vector<2048x128xf32>
    %max3A_933 = arith.maximumf %max3A_931, %max3A_932 : vector<2048x128xf32>
    %sub3A_934 = arith.subf %min3A_930, %max3A_933 : vector<2048x128xf32>
    %max3A_935 = arith.constant 0.000000e+00 : f32
    %max3A_936 = vector.broadcast %max3A_935 : f32 to vector<2048x128xf32>
    %max3A_937 = arith.maximumf %sub3A_934, %max3A_936 : vector<2048x128xf32>
    %mul3A_938 = arith.mulf %max3A_927, %max3A_937 : vector<2048x128xf32>
    %add3A_939 = vector.broadcast %mul3A : vector<2048x1xf32> to vector<2048x128xf32>
    %add3A_940 = vector.broadcast %mul3A_917 : vector<1x128xf32> to vector<2048x128xf32>
    %add3A_941 = arith.addf %add3A_939, %add3A_940 : vector<2048x128xf32>
    %sub3A_942 = arith.subf %add3A_941, %mul3A_938 : vector<2048x128xf32>
    %add3A_943 = arith.constant 9.99999971E-10 : f32
    %add3A_944 = vector.broadcast %add3A_943 : f32 to vector<2048x128xf32>
    %add3A_945 = arith.addf %sub3A_942, %add3A_944 : vector<2048x128xf32>
    %mul3A_946 = arith.constant 0.699999988 : f32
    %mul3A_947 = vector.broadcast %mul3A_946 : f32 to vector<2048x128xf32>
    %mul3A_948 = arith.mulf %mul3A_947, %add3A_945 : vector<2048x128xf32>
    %gt3A_949 = arith.cmpf ogt, %mul3A_938, %mul3A_948 : vector<2048x128xf32>
    %convert_element_type3A_950 = arith.extui %gt3A_949 : vector<2048x128xi1> to vector<2048x128xi32>
    %convert_element_type3A_951 = arith.sitofp %convert_element_type3A_950 : vector<2048x128xi32> to vector<2048x128xf32>
    %get3A_952 = arith.constant 0 : index
    %get3A_953 = arith.constant 0 : index
    %get3A_954 = vector.load %arg4[%get3A_952, %get3A_953] : memref<8x2048xf32, #tpu.memory_space<vmem>>, vector<1x2048xf32>
    %dot_general3A_955 = arith.constant dense<0.000000e+00> : vector<1x128xf32>
    %dot_general3A_956 = tpu.matmul %get3A_954, %convert_element_type3A_951, %dot_general3A_955 {dimension_numbers = #tpu.dot_dimension_numbers<[1], [0], [0], [1], [0, 0, 1, 1], [], []>, transpose_lhs_hint = false} : vector<1x2048xf32>, vector<2048x128xf32>, vector<1x128xf32> -> vector<1x128xf32>
    %slice3A_957 = vector.extract_strided_slice %convert_element_type3A_951 {offsets = [1664, 0], sizes = [128, 128], strides = [1, 1]} : vector<2048x128xf32> to vector<128x128xf32>
    %swap3A_958 = arith.constant 0 : index
    %swap3A_959 = arith.constant 0 : index
    %swap3A_960 = vector.load %arg5[%swap3A_958, %swap3A_959] : memref<128x128xf32, #tpu.memory_space<vmem>>, vector<128x128xf32>
    tpu.vector_store %arg5[%swap3A_958, %swap3A_959], %slice3A_957 {strides = array<i32>} : memref<128x128xf32, #tpu.memory_space<vmem>>, vector<128x128xf32>,
    %gt3A_961 = arith.constant 5.000000e-01 : f32
    %gt3A_962 = vector.broadcast %gt3A_961 : f32 to vector<1x128xf32>
    %gt3A_963 = arith.cmpf ogt, %dot_general3A_956, %gt3A_962 : vector<1x128xf32>
    %jit3A_964 = arith.constant 0.000000e+00 : f32
    %jit3A_965 = arith.constant 1.000000e+00 : f32
    %broadcast_in_dim3A_966 = vector.broadcast %jit3A_964 : f32 to vector<1x128xf32>
    %broadcast_in_dim3A_967 = vector.broadcast %jit3A_965 : f32 to vector<1x128xf32>
    %select_n3A_968 = arith.select %gt3A_963, %broadcast_in_dim3A_966, %broadcast_in_dim3A_967 : vector<1x128xi1>, vector<1x128xf32>
    %swap3A_969 = arith.constant 0 : index
    %swap3A_970 = arith.constant 1664 : index
    %swap3A_971 = vector.load %arg4[%swap3A_969, %swap3A_970] : memref<8x2048xf32, #tpu.memory_space<vmem>>, vector<1x128xf32>
    tpu.vector_store %arg4[%swap3A_969, %swap3A_970], %select_n3A_968 {strides = array<i32>} : memref<8x2048xf32, #tpu.memory_space<vmem>>, vector<1x128xf32>,
    %get3A_972 = arith.constant 0 : index
    %get3A_973 = arith.constant 1792 : index
    %get3A_974 = vector.load %arg2[%get3A_972, %get3A_973] : memref<8x2048xf32, #tpu.memory_space<vmem>>, vector<1x128xf32>
    %get3A_975 = arith.constant 1 : index
    %get3A_976 = arith.constant 1792 : index
    %get3A_977 = vector.load %arg2[%get3A_975, %get3A_976] : memref<8x2048xf32, #tpu.memory_space<vmem>>, vector<1x128xf32>
    %get3A_978 = arith.constant 2 : index
    %get3A_979 = arith.constant 1792 : index
    %get3A_980 = vector.load %arg2[%get3A_978, %get3A_979] : memref<8x2048xf32, #tpu.memory_space<vmem>>, vector<1x128xf32>
    %get3A_981 = arith.constant 3 : index
    %get3A_982 = arith.constant 1792 : index
    %get3A_983 = vector.load %arg2[%get3A_981, %get3A_982] : memref<8x2048xf32, #tpu.memory_space<vmem>>, vector<1x128xf32>
    %sub3A_984 = arith.subf %get3A_980, %get3A_974 : vector<1x128xf32>
    %sub3A_985 = arith.subf %get3A_983, %get3A_977 : vector<1x128xf32>
    %mul3A_986 = arith.mulf %sub3A_984, %sub3A_985 : vector<1x128xf32>
    %min3A_987 = vector.broadcast %get3A_7 : vector<2048x1xf32> to vector<2048x128xf32>
    %min3A_988 = vector.broadcast %get3A_980 : vector<1x128xf32> to vector<2048x128xf32>
    %min3A_989 = arith.minimumf %min3A_987, %min3A_988 : vector<2048x128xf32>
    %max3A_990 = vector.broadcast %get3A_1 : vector<2048x1xf32> to vector<2048x128xf32>
    %max3A_991 = vector.broadcast %get3A_974 : vector<1x128xf32> to vector<2048x128xf32>
    %max3A_992 = arith.maximumf %max3A_990, %max3A_991 : vector<2048x128xf32>
    %sub3A_993 = arith.subf %min3A_989, %max3A_992 : vector<2048x128xf32>
    %max3A_994 = arith.constant 0.000000e+00 : f32
    %max3A_995 = vector.broadcast %max3A_994 : f32 to vector<2048x128xf32>
    %max3A_996 = arith.maximumf %sub3A_993, %max3A_995 : vector<2048x128xf32>
    %min3A_997 = vector.broadcast %get3A_10 : vector<2048x1xf32> to vector<2048x128xf32>
    %min3A_998 = vector.broadcast %get3A_983 : vector<1x128xf32> to vector<2048x128xf32>
    %min3A_999 = arith.minimumf %min3A_997, %min3A_998 : vector<2048x128xf32>
    %max3A_1000 = vector.broadcast %get3A_4 : vector<2048x1xf32> to vector<2048x128xf32>
    %max3A_1001 = vector.broadcast %get3A_977 : vector<1x128xf32> to vector<2048x128xf32>
    %max3A_1002 = arith.maximumf %max3A_1000, %max3A_1001 : vector<2048x128xf32>
    %sub3A_1003 = arith.subf %min3A_999, %max3A_1002 : vector<2048x128xf32>
    %max3A_1004 = arith.constant 0.000000e+00 : f32
    %max3A_1005 = vector.broadcast %max3A_1004 : f32 to vector<2048x128xf32>
    %max3A_1006 = arith.maximumf %sub3A_1003, %max3A_1005 : vector<2048x128xf32>
    %mul3A_1007 = arith.mulf %max3A_996, %max3A_1006 : vector<2048x128xf32>
    %add3A_1008 = vector.broadcast %mul3A : vector<2048x1xf32> to vector<2048x128xf32>
    %add3A_1009 = vector.broadcast %mul3A_986 : vector<1x128xf32> to vector<2048x128xf32>
    %add3A_1010 = arith.addf %add3A_1008, %add3A_1009 : vector<2048x128xf32>
    %sub3A_1011 = arith.subf %add3A_1010, %mul3A_1007 : vector<2048x128xf32>
    %add3A_1012 = arith.constant 9.99999971E-10 : f32
    %add3A_1013 = vector.broadcast %add3A_1012 : f32 to vector<2048x128xf32>
    %add3A_1014 = arith.addf %sub3A_1011, %add3A_1013 : vector<2048x128xf32>
    %mul3A_1015 = arith.constant 0.699999988 : f32
    %mul3A_1016 = vector.broadcast %mul3A_1015 : f32 to vector<2048x128xf32>
    %mul3A_1017 = arith.mulf %mul3A_1016, %add3A_1014 : vector<2048x128xf32>
    %gt3A_1018 = arith.cmpf ogt, %mul3A_1007, %mul3A_1017 : vector<2048x128xf32>
    %convert_element_type3A_1019 = arith.extui %gt3A_1018 : vector<2048x128xi1> to vector<2048x128xi32>
    %convert_element_type3A_1020 = arith.sitofp %convert_element_type3A_1019 : vector<2048x128xi32> to vector<2048x128xf32>
    %get3A_1021 = arith.constant 0 : index
    %get3A_1022 = arith.constant 0 : index
    %get3A_1023 = vector.load %arg4[%get3A_1021, %get3A_1022] : memref<8x2048xf32, #tpu.memory_space<vmem>>, vector<1x2048xf32>
    %dot_general3A_1024 = arith.constant dense<0.000000e+00> : vector<1x128xf32>
    %dot_general3A_1025 = tpu.matmul %get3A_1023, %convert_element_type3A_1020, %dot_general3A_1024 {dimension_numbers = #tpu.dot_dimension_numbers<[1], [0], [0], [1], [0, 0, 1, 1], [], []>, transpose_lhs_hint = false} : vector<1x2048xf32>, vector<2048x128xf32>, vector<1x128xf32> -> vector<1x128xf32>
    %slice3A_1026 = vector.extract_strided_slice %convert_element_type3A_1020 {offsets = [1792, 0], sizes = [128, 128], strides = [1, 1]} : vector<2048x128xf32> to vector<128x128xf32>
    %swap3A_1027 = arith.constant 0 : index
    %swap3A_1028 = arith.constant 0 : index
    %swap3A_1029 = vector.load %arg5[%swap3A_1027, %swap3A_1028] : memref<128x128xf32, #tpu.memory_space<vmem>>, vector<128x128xf32>
    tpu.vector_store %arg5[%swap3A_1027, %swap3A_1028], %slice3A_1026 {strides = array<i32>} : memref<128x128xf32, #tpu.memory_space<vmem>>, vector<128x128xf32>,
    %gt3A_1030 = arith.constant 5.000000e-01 : f32
    %gt3A_1031 = vector.broadcast %gt3A_1030 : f32 to vector<1x128xf32>
    %gt3A_1032 = arith.cmpf ogt, %dot_general3A_1025, %gt3A_1031 : vector<1x128xf32>
    %jit3A_1033 = arith.constant 0.000000e+00 : f32
    %jit3A_1034 = arith.constant 1.000000e+00 : f32
    %broadcast_in_dim3A_1035 = vector.broadcast %jit3A_1033 : f32 to vector<1x128xf32>
    %broadcast_in_dim3A_1036 = vector.broadcast %jit3A_1034 : f32 to vector<1x128xf32>
    %select_n3A_1037 = arith.select %gt3A_1032, %broadcast_in_dim3A_1035, %broadcast_in_dim3A_1036 : vector<1x128xi1>, vector<1x128xf32>
    %swap3A_1038 = arith.constant 0 : index
    %swap3A_1039 = arith.constant 1792 : index
    %swap3A_1040 = vector.load %arg4[%swap3A_1038, %swap3A_1039] : memref<8x2048xf32, #tpu.memory_space<vmem>>, vector<1x128xf32>
    tpu.vector_store %arg4[%swap3A_1038, %swap3A_1039], %select_n3A_1037 {strides = array<i32>} : memref<8x2048xf32, #tpu.memory_space<vmem>>, vector<1x128xf32>,
    %get3A_1041 = arith.constant 0 : index
    %get3A_1042 = arith.constant 1920 : index
    %get3A_1043 = vector.load %arg2[%get3A_1041, %get3A_1042] : memref<8x2048xf32, #tpu.memory_space<vmem>>, vector<1x128xf32>
    %get3A_1044 = arith.constant 1 : index
    %get3A_1045 = arith.constant 1920 : index
    %get3A_1046 = vector.load %arg2[%get3A_1044, %get3A_1045] : memref<8x2048xf32, #tpu.memory_space<vmem>>, vector<1x128xf32>
    %get3A_1047 = arith.constant 2 : index
    %get3A_1048 = arith.constant 1920 : index
    %get3A_1049 = vector.load %arg2[%get3A_1047, %get3A_1048] : memref<8x2048xf32, #tpu.memory_space<vmem>>, vector<1x128xf32>
    %get3A_1050 = arith.constant 3 : index
    %get3A_1051 = arith.constant 1920 : index
    %get3A_1052 = vector.load %arg2[%get3A_1050, %get3A_1051] : memref<8x2048xf32, #tpu.memory_space<vmem>>, vector<1x128xf32>
    %sub3A_1053 = arith.subf %get3A_1049, %get3A_1043 : vector<1x128xf32>
    %sub3A_1054 = arith.subf %get3A_1052, %get3A_1046 : vector<1x128xf32>
    %mul3A_1055 = arith.mulf %sub3A_1053, %sub3A_1054 : vector<1x128xf32>
    %min3A_1056 = vector.broadcast %get3A_7 : vector<2048x1xf32> to vector<2048x128xf32>
    %min3A_1057 = vector.broadcast %get3A_1049 : vector<1x128xf32> to vector<2048x128xf32>
    %min3A_1058 = arith.minimumf %min3A_1056, %min3A_1057 : vector<2048x128xf32>
    %max3A_1059 = vector.broadcast %get3A_1 : vector<2048x1xf32> to vector<2048x128xf32>
    %max3A_1060 = vector.broadcast %get3A_1043 : vector<1x128xf32> to vector<2048x128xf32>
    %max3A_1061 = arith.maximumf %max3A_1059, %max3A_1060 : vector<2048x128xf32>
    %sub3A_1062 = arith.subf %min3A_1058, %max3A_1061 : vector<2048x128xf32>
    %max3A_1063 = arith.constant 0.000000e+00 : f32
    %max3A_1064 = vector.broadcast %max3A_1063 : f32 to vector<2048x128xf32>
    %max3A_1065 = arith.maximumf %sub3A_1062, %max3A_1064 : vector<2048x128xf32>
    %min3A_1066 = vector.broadcast %get3A_10 : vector<2048x1xf32> to vector<2048x128xf32>
    %min3A_1067 = vector.broadcast %get3A_1052 : vector<1x128xf32> to vector<2048x128xf32>
    %min3A_1068 = arith.minimumf %min3A_1066, %min3A_1067 : vector<2048x128xf32>
    %max3A_1069 = vector.broadcast %get3A_4 : vector<2048x1xf32> to vector<2048x128xf32>
    %max3A_1070 = vector.broadcast %get3A_1046 : vector<1x128xf32> to vector<2048x128xf32>
    %max3A_1071 = arith.maximumf %max3A_1069, %max3A_1070 : vector<2048x128xf32>
    %sub3A_1072 = arith.subf %min3A_1068, %max3A_1071 : vector<2048x128xf32>
    %max3A_1073 = arith.constant 0.000000e+00 : f32
    %max3A_1074 = vector.broadcast %max3A_1073 : f32 to vector<2048x128xf32>
    %max3A_1075 = arith.maximumf %sub3A_1072, %max3A_1074 : vector<2048x128xf32>
    %mul3A_1076 = arith.mulf %max3A_1065, %max3A_1075 : vector<2048x128xf32>
    %add3A_1077 = vector.broadcast %mul3A : vector<2048x1xf32> to vector<2048x128xf32>
    %add3A_1078 = vector.broadcast %mul3A_1055 : vector<1x128xf32> to vector<2048x128xf32>
    %add3A_1079 = arith.addf %add3A_1077, %add3A_1078 : vector<2048x128xf32>
    %sub3A_1080 = arith.subf %add3A_1079, %mul3A_1076 : vector<2048x128xf32>
    %add3A_1081 = arith.constant 9.99999971E-10 : f32
    %add3A_1082 = vector.broadcast %add3A_1081 : f32 to vector<2048x128xf32>
    %add3A_1083 = arith.addf %sub3A_1080, %add3A_1082 : vector<2048x128xf32>
    %mul3A_1084 = arith.constant 0.699999988 : f32
    %mul3A_1085 = vector.broadcast %mul3A_1084 : f32 to vector<2048x128xf32>
    %mul3A_1086 = arith.mulf %mul3A_1085, %add3A_1083 : vector<2048x128xf32>
    %gt3A_1087 = arith.cmpf ogt, %mul3A_1076, %mul3A_1086 : vector<2048x128xf32>
    %convert_element_type3A_1088 = arith.extui %gt3A_1087 : vector<2048x128xi1> to vector<2048x128xi32>
    %convert_element_type3A_1089 = arith.sitofp %convert_element_type3A_1088 : vector<2048x128xi32> to vector<2048x128xf32>
    %get3A_1090 = arith.constant 0 : index
    %get3A_1091 = arith.constant 0 : index
    %get3A_1092 = vector.load %arg4[%get3A_1090, %get3A_1091] : memref<8x2048xf32, #tpu.memory_space<vmem>>, vector<1x2048xf32>
    %dot_general3A_1093 = arith.constant dense<0.000000e+00> : vector<1x128xf32>
    %dot_general3A_1094 = tpu.matmul %get3A_1092, %convert_element_type3A_1089, %dot_general3A_1093 {dimension_numbers = #tpu.dot_dimension_numbers<[1], [0], [0], [1], [0, 0, 1, 1], [], []>, transpose_lhs_hint = false} : vector<1x2048xf32>, vector<2048x128xf32>, vector<1x128xf32> -> vector<1x128xf32>
    %slice3A_1095 = vector.extract_strided_slice %convert_element_type3A_1089 {offsets = [1920, 0], sizes = [128, 128], strides = [1, 1]} : vector<2048x128xf32> to vector<128x128xf32>
    %swap3A_1096 = arith.constant 0 : index
    %swap3A_1097 = arith.constant 0 : index
    %swap3A_1098 = vector.load %arg5[%swap3A_1096, %swap3A_1097] : memref<128x128xf32, #tpu.memory_space<vmem>>, vector<128x128xf32>
    tpu.vector_store %arg5[%swap3A_1096, %swap3A_1097], %slice3A_1095 {strides = array<i32>} : memref<128x128xf32, #tpu.memory_space<vmem>>, vector<128x128xf32>,
    %gt3A_1099 = arith.constant 5.000000e-01 : f32
    %gt3A_1100 = vector.broadcast %gt3A_1099 : f32 to vector<1x128xf32>
    %gt3A_1101 = arith.cmpf ogt, %dot_general3A_1094, %gt3A_1100 : vector<1x128xf32>
    %jit3A_1102 = arith.constant 0.000000e+00 : f32
    %jit3A_1103 = arith.constant 1.000000e+00 : f32
    %broadcast_in_dim3A_1104 = vector.broadcast %jit3A_1102 : f32 to vector<1x128xf32>
    %broadcast_in_dim3A_1105 = vector.broadcast %jit3A_1103 : f32 to vector<1x128xf32>
    %select_n3A_1106 = arith.select %gt3A_1101, %broadcast_in_dim3A_1104, %broadcast_in_dim3A_1105 : vector<1x128xi1>, vector<1x128xf32>
    %swap3A_1107 = arith.constant 0 : index
    %swap3A_1108 = arith.constant 1920 : index
    %swap3A_1109 = vector.load %arg4[%swap3A_1107, %swap3A_1108] : memref<8x2048xf32, #tpu.memory_space<vmem>>, vector<1x128xf32>
    tpu.vector_store %arg4[%swap3A_1107, %swap3A_1108], %select_n3A_1106 {strides = array<i32>} : memref<8x2048xf32, #tpu.memory_space<vmem>>, vector<1x128xf32>,
    %get3A_1110 = arith.constant 0 : index
    %get3A_1111 = arith.constant 0 : index
    %get3A_1112 = vector.load %arg4[%get3A_1110, %get3A_1111] : memref<8x2048xf32, #tpu.memory_space<vmem>>, vector<1x2048xf32>
    %broadcast_in_dim3A_1113 = vector.shape_cast %get3A_1112 : vector<1x2048xf32> to vector<1x2048xf32>
    %broadcast_in_dim3A_1114 = vector.broadcast %broadcast_in_dim3A_1113 : vector<1x2048xf32> to vector<8x2048xf32>
    %swap3A_1115 = arith.constant 0 : index
    %swap3A_1116 = arith.constant 0 : index
    %swap3A_1117 = vector.load %arg3[%swap3A_1115, %swap3A_1116] : memref<8x2048xf32, #tpu.memory_space<vmem>>, vector<8x2048xf32>
    tpu.vector_store %arg3[%swap3A_1115, %swap3A_1116], %broadcast_in_dim3A_1114 {strides = array<i32>} : memref<8x2048xf32, #tpu.memory_space<vmem>>, vector<8x2048xf32>,
    return
  }
  func.func @transform_0(%arg0: i32) -> (i32, i32) {
    %c0_i32 = arith.constant 0 : i32
    %c0_i32_0 = arith.constant 0 : i32
    return %arg0, %c0_i32 : i32, i32
  }
  func.func @transform_1(%arg0: i32) -> (i32, i32) {
    %c0_i32 = arith.constant 0 : i32
    %c0_i32_0 = arith.constant 0 : i32
    return %arg0, %c0_i32 : i32, i32
  }
  func.func @transform_2(%arg0: i32) -> (i32, i32) {
    %c0_i32 = arith.constant 0 : i32
    %c0_i32_0 = arith.constant 0 : i32
    return %arg0, %c0_i32 : i32, i32
  }
}

</mosaic_0001>

<sc_bundles>
// kernel: gather_offload_async_start.1
scs
__scs_entry_jumppad:
0x0: {  	(pc) =	sbr.rel $0x88, $3  }
0x1: {  	(tag) =	ssettag $0x0;
	lr =	simm.s32 $0x1  }
0x2: {  	[smem:$0x3F9A] =	sst lr;
	_ =	strace $0xD0000000  }
0x3: {  	_ = 	snop  }
0x4: {  	_ = 	snop  }
0x5: {  	_ = 	snop  }
0x6: {  	_ = 	snop  }
0x7: {  	_ = 	snop  }
__scs_overlays_trampoline_lowered:
0x8: {  	[smem:$0x3FA9] =	sst s0  }
0x9: {  	[smem:$0x3FAA] =	sst s1  }
0xa: {  	[smem:$0x3FAB] =	sst s2  }
0xb: {  	[smem:$0x3FAC] =	sst s3  }
0xc: {  	[smem:$0x3FAD] =	sst s4  }
0xd: {  	[smem:$0x3FAE] =	sst s5  }
0xe: {  	[smem:$0x3FAF] =	sst s6  }
0xf: {  	[smem:$0x3FB0] =	sst s7  }
0x10: {  	[smem:$0x3FB1] =	sst s8  }
0x11: {  	[smem:$0x3FB2] =	sst s9;
	s0 =	simm.s32 @!p0 $0x0  }
0x12: {  	s1 =	sld [smem:$0x3F98];
	s0 =	simm.s32 @p0 $0x1  }
0x13: {  	[smem:$0x3FB3] =	sst s0;
	s0 =	simm.s32 @!p1 $0x0  }
0x14: {  	s2 =	sld [smem:$0x3F97];
	s0 =	simm.s32 @p1 $0x1  }
0x15: {  	[smem:$0x3FB4] =	sst s0;
	s0 =	simm.s32 @!p2 $0x0  }
0x16: {  	s3 =	sld [smem:$0x3FDB];
	s0 =	simm.s32 @p2 $0x1  }
0x17: {  	s4 =	simm.s32 $0x1BF5;
	[smem:$0x3FB6] =	sst s0  }
0x18: {  	s0 =	sld [smem:$0x3F99];
	_ =	swait.ge [sflag:s4], $0x0  }
0x19: {  	s7 =	sld [smem:$0x3F9A]  }
0x1a: {  	s8 =	sadd.s32 $0xFFFFE003, lr  }
0x1b: {  	s9 =	sadd.s32 $0xFFFFFEF7, lr;
	s5 =	simm.s32 $0xFFFFFFFF;
	p2 =	slt.u32 s8, $0xFFFFF086  }
0x1c: {  	p1 =	slt.u32 s9, $0xF7A;
	s5 =	simm.s32 @!p2 $0x0  }
0x1d: {  	s5 =	simm.s32 @p1 $0x1;
	p0 =	seq.s32 s7, s2  }
0x1e: {  	s7 =	smul.u32 @!p0 $0xF7A, s2;
	p2 =	seq.s32 @!p0 s5, $0x0  }
0x1f: {  	s9 =	smul.u32 $0xF7A, s1;
	s8 =	simm.s32 @!p0 $0x1BF5;
	p2 =	por !p2, p0  }
0x20: {  	[sflag:s8] =	ssyncset.s32 @!p0 $0xFFFFF086;
	s6 =	sadd.s32 @!p0 s3, s7;
	s7 =	simm.s32 @!p0 $0x108  }
0x21: {  	s3 =	sadd.s32 s3, s9;
	s6 =	sadd.s32 @!p0 $0x88, s6;
	s7 =	simm.s32 @p2 $0x1082  }
0x22: {  	[simem:s7], [sflag:s8] =	dma.local @!p0 [hbm:s6], $0xF7A  }
0x23: {  	s9 =	sor.u32 $0xD0000000, s2;
	s6 =	simm.s32 $0x108;
	_ =	swait.ge @!p0 [sflag:s8], $0x0  }
0x24: {  	s3 =	sadd.s32 $0x88, s3;
	s6 =	simm.s32 @!p1 $0x1082;
	[sflag:s4] =	ssyncset.s32 $0xFFFFF086  }
0x25: {  	[simem:s6], [sflag:s4] =	dma.local [hbm:s3], $0xF7A  }
0x26: {  	[smem:$0x3F9A] =	sst s1;
	(tag) =	ssettag s2;
	_ =	strace s9  }
0x27: {  	s1 =	sld [smem:$0x3FAA]  }
0x28: {  	s2 =	sld [smem:$0x3FAB]  }
0x29: {  	s4 =	sld [smem:$0x3FAD]  }
0x2a: {  	p0 =	seq.s32 s5, $0x0;
	s5 =	sld [smem:$0x3FAE]  }
0x2b: {  	s6 =	sld [smem:$0x3FAF]  }
0x2c: {  	s7 =	sld [smem:$0x3FB0]  }
0x2d: {  	s3 =	simm.s32 $0x108;
	s8 =	sld [smem:$0x3FB1]  }
0x2e: {  	s3 =	simm.s32 @!p0 $0x1082;
	s9 =	sld [smem:$0x3FB2]  }
0x2f: {  	lr =	sadd.s32 s0, s3;
	s0 =	sld [smem:$0x3FA9]  }
0x30: {  	s3 =	sld [smem:$0x3FAC]  }
0x31: {  	[smem:$0x3FB5] =	sst s10  }
0x32: {  	s10 =	sld [smem:$0x3FB3];
	_ =	sdelay $0x3  }
0x33: {  	p0 =	seq.s32 s10, $0x1;
	s10 =	sld [smem:$0x3FB5];
	_ =	sdelay $0x3  }
0x34: {  	[smem:$0x3FB5] =	sst s10  }
0x35: {  	s10 =	sld [smem:$0x3FB4];
	_ =	sdelay $0x3  }
0x36: {  	p1 =	seq.s32 s10, $0x1;
	s10 =	sld [smem:$0x3FB5];
	_ =	sdelay $0x3  }
0x37: {  	[smem:$0x3FB5] =	sst s10  }
0x38: {  	s10 =	sld [smem:$0x3FB6]  }
0x39: {  	_ = 	snop;
	(pc) =	sbr.ind lr, $3  }
0x3a: {  	_ = 	snop  }
0x3b: {  	_ = 	snop  }
0x3c: {  	p2 =	seq.s32 s10, $0x1;
	s10 =	sld [smem:$0x3FB5]  }
0x3d: {  	_ =	shalt  }
0x3e: {  	_ =	shalt  }
0x3f: {  	_ =	shalt  }
0x40: {  	_ =	shalt  }
0x41: {  	_ =	shalt  }
0x42: {  	_ =	shalt  }
0x43: {  	_ =	shalt  }
0x44: {  	_ =	shalt  }
0x45: {  	_ =	shalt  }
0x46: {  	_ =	shalt  }
0x47: {  	_ =	shalt  }
0x48: {  	_ =	shalt  }
0x49: {  	_ =	shalt  }
0x4a: {  	_ =	shalt  }
0x4b: {  	_ =	shalt  }
0x4c: {  	_ =	shalt  }
0x4d: {  	_ =	shalt  }
0x4e: {  	_ =	shalt  }
0x4f: {  	_ =	shalt  }
0x50: {  	_ =	shalt  }
0x51: {  	_ =	shalt  }
0x52: {  	_ =	shalt  }
0x53: {  	_ =	shalt  }
0x54: {  	_ =	shalt  }
0x55: {  	_ =	shalt  }
0x56: {  	_ =	shalt  }
0x57: {  	_ =	shalt  }
0x58: {  	_ =	shalt  }
0x59: {  	_ =	shalt  }
0x5a: {  	_ =	shalt  }
0x5b: {  	_ =	shalt  }
0x5c: {  	_ =	shalt  }
0x5d: {  	_ =	shalt  }
0x5e: {  	_ =	shalt  }
0x5f: {  	_ =	shalt  }
0x60: {  	_ =	shalt  }
0x61: {  	_ =	shalt  }
0x62: {  	_ =	shalt  }
0x63: {  	_ =	shalt  }
0x64: {  	_ =	shalt  }
0x65: {  	_ =	shalt  }
0x66: {  	_ =	shalt  }
0x67: {  	_ =	shalt  }
0x68: {  	_ =	shalt  }
0x69: {  	_ =	shalt  }
0x6a: {  	_ =	shalt  }
0x6b: {  	_ =	shalt  }
0x6c: {  	_ =	shalt  }
0x6d: {  	_ =	shalt  }
0x6e: {  	_ =	shalt  }
0x6f: {  	_ =	shalt  }
0x70: {  	_ =	shalt  }
0x71: {  	_ =	shalt  }
0x72: {  	_ =	shalt  }
0x73: {  	_ =	shalt  }
0x74: {  	_ =	shalt  }
0x75: {  	_ =	shalt  }
0x76: {  	_ =	shalt  }
0x77: {  	_ =	shalt  }
0x78: {  	_ =	shalt  }
0x79: {  	_ =	shalt  }
0x7a: {  	_ =	shalt  }
0x7b: {  	_ =	shalt  }
0x7c: {  	_ =	shalt  }
0x7d: {  	_ =	shalt  }
0x7e: {  	_ =	shalt  }
0x7f: {  	_ =	shalt  }
0x80: {  	_ =	shalt  }
0x81: {  	_ =	shalt  }
0x82: {  	_ =	shalt  }
0x83: {  	_ =	shalt  }
0x84: {  	_ =	shalt  }
0x85: {  	_ =	shalt  }
0x86: {  	_ =	shalt  }
0x87: {  	_ =	shalt  }
.Lfunc_end0:
.L_simem_size_0:
called_computation.1_lowered:
.L_overlay_start_0:
0x88: {  	s0 =	sld [smem:$0x3FD9]  }
0x89: {  	s1 =	sld [smem:$0x3FFE];
	_ =	sdelay $0x3  }
0x8a: {  	s0 =	sadd.s32 s1, s0  }
0x8b: {  	[smem:$0x3FC1] =	sst s0  }
0x8c: {  	_ = 	snop  }
0x8d: {  	s0 =	sld [smem:$0x3FD0];
	_ =	sdelay $0x2  }
0x8e: {  	s13 =	simm.s32 $0xA;
	s2 =	simm.s32 $0x10  }
0x8f: {  	[smem:s2], [sflag:s13] =	dma.local [hbm:s0], $0x1  }
0x90: {  	_ =	swait.eq [sflag:s13], $0x1  }
0x91: {  	[sflag:s13] =	ssyncset.done $0x0  }
0x92: {  	[sflag:s13] =	ssyncadd.s32 $0xFFFFFFFF  }
0x93: {  	s14 =	sld [smem:$0x10];
	(tm) =	ssettm $0x1  }
0x94: {  	s15 =	sld [smem:$0x3FFB];
	_ =	sdelay $0x3  }
0x95: {  	_ =	strace s15  }
0x96: {  	s1 =	sld [smem:$0x3FFC];
	_ =	sdelay $0x3  }
0x97: {  	_ =	strace s1  }
0x98: {  	s1 =	sld [smem:$0x3FFD];
	_ =	sdelay $0x3  }
0x99: {  	_ =	strace s1  }
0x9a: {  	_ =	strace $0x8FFFFFFF  }
0x9b: {  	s16 =	sld [smem:$0x3FDB];
	_ =	sdelay $0x1  }
0x9c: {  	s17 =	simm.s32 $_scs_section_size  }
0x9d: {  	s3 =	simm.s32 $_size__tile_overlayer_lowered;
	s4 =	simm.s32 $_tile_overlayer_lowered  }
0x9e: {  	s20 =	simm.s32 $0x1BFF;
	s19 =	sshll.u32 s4, $0x1;
	s1 =	sadd.s32 s17, s16  }
0x9f: {  	s5 =	simm.s32 $0x0;
	s18 =	sshll.u32 s3, $0x1;
	s3 =	sadd.s32 s19, s1  }
0xa0: {  	[timem:s5], [sflag:s20] =	dma.local [hbm:s3], s18  }
0xa1: {  	_ =	swait.ge [sflag:s20], s18  }
0xa2: {  	s2 =	ssub.s32 $0x0, s18;
	[sflag:s20] =	ssyncset.done $0x0  }
0xa3: {  	[sflag:s20] =	ssyncadd.s32 s2;
	_ =	sdelay $0x1  }
0xa4: {  	s21 =	simm.s32 $0x1B8B  }
0xa5: {  	_ =	swait.ge [sflag:s21], $0x1  }
0xa6: {  	[sflag:s21] =	ssyncset.done $0x0  }
0xa7: {  	s23 =	simm.s32 $0x1B8E;
	s22 =	sld [smem:$0x3FFE];
	[sflag:s21] =	ssyncadd.s32 $0xFFFFFFFF  }
0xa8: {  	s24 =	simm.s32 $execute0_lowered;
	[smem:$0x3FD2] =	sst s23  }
0xa9: {  	s3 =	sshll.u32 s24, $0x1;
	_ =	strace $0x80000049;
	[dreg:$0x1] =	wrdreg $0xFFFFFFFF  }
0xaa: {  	s25 =	simm.s32 $_size_execute0_lowered;
	s1 =	sadd.s32 s1, s3;
	[dreg:$0x0] =	wrdreg $0x0  }
0xab: {  	s3 =	sshll.u32 s25, $0x1;
	[dreg:$0x2] =	wrdreg s1  }
0xac: {  	[dreg:$0x3] =	wrdreg s3  }
0xad: {  	[dreg:$0x4] =	wrdreg $0xC0  }
0xae: {  	_ =	task [dreg:s5], $0x5FFFF  }
0xaf: {  	[dreg:$0x1] =	wrdreg $0xFFFFFFFF  }
0xb0: {  	[dreg:$0x0] =	wrdreg $0x60  }
0xb1: {  	[dreg:$0x2] =	wrdreg s22  }
0xb2: {  	[dreg:$0x3] =	wrdreg s14  }
0xb3: {  	[dreg:$0x4] =	wrdreg $0x9  }
0xb4: {  	_ =	task.clear_ibuf [dreg:s5], $0x5FFFF;
	_ =	strace $0x90000049  }
0xb5: {  	s26 =	simm.s32 $0x9;
	_ =	strace $0x8000004B  }
0xb6: {  	_ =	swait.ge [sflag:s26], $0x1  }
0xb7: {  	[sflag:s26] =	ssyncadd.s32 $0xFFFFFFFF  }
0xb8: {  	_ =	strace $0x9000004B  }
0xb9: {  	_ =	sfence  }
0xba: {  	s28 =	sld [smem:$0x0];
	_ =	sdelay $0x1  }
0xbb: {  	s29 =	srdreg.scid  }
0xbc: {  	s30 =	sshll.u32 s29, $0xD;
	s31 =	sshrl.u32 s29, $0x2  }
0xbd: {  	s2 =	sand.u32 $0x4000, s30;
	s1 =	sand.u32 $0x1, s29;
	s0 =	sadd.s32 s31, s28  }
0xbe: {  	s1 =	sor.u32 s2, s1;
	s0 =	sshll.u32 s0, $0x11  }
0xbf: {  	s0 =	sor.u32 s0, s1  }
0xc0: {  	s0 =	sadd.s32 $0x8F2B, s0  }
0xc1: {  	[sflag:s0] =	ssyncadd.remote.s32 $0x1  }
0xc2: {  	_ =	sfence.sel $0xFFFF  }
0xc3: {  	[dreg:$0x0] =	wrdreg $0xFFFFFFFF;
	(pc) =	sbr.abs _section_cstart, $3  }
0xc4: {  	[dreg:$0x1] =	wrdreg $0xFFFFFFFF  }
0xc5: {  	_ =	task.clear_ibuf [dreg:s5], $0x2FFFF;
	_ =	strace $0x9FFFFFFF  }
0xc6: {  	(tm) =	ssettm $0x7FFFFFFF  }
0xc7: {  	_ =	shalt  }
tec
execute0_lowered:
.L_overlay_start_1:
0x0: {  	(tag) =	ssettag $0x1  }
0x1: {  	s0 =	stileid.u32  }
0x2: {  	s1 =	smin.u32 s0, $0x9  }
0x3: {  	s1 =	sadd.s32 s0, s1  }
0x4: {  	s2 =	simm.s32 $0xA0;
	p0 =	slt.u32 s0, $0x9;
	s1 =	smul.u32 $0x50, s1  }
0x5: {  	s2 =	simm.s32 @!p0 $0x50  }
0x6: {  	s2 =	sadd.s32 s2, s1  }
0x7: {  	s3 =	smin.u32 s2, $0x7D0  }
0x8: {  	s7 =	ssub.s32 s3, s1  }
0x9: {  	p0 =	sgt.s32 s7, $0x0  }
0xa: {  	s7 =	simm.s32 @!p0 $0x0  }
0xb: {  	s4 =	rddreg [dreg:$0x0];
	s31 =	smul.u32 $0xCCCD, s7  }
0xc: {  	s5 =	rddreg [dreg:$0x1]  }
0xd: {  	s6 =	simm.s32 $0x1;
	s10 =	simm.s32 $0x3;
	s8 =	sshrl.u32 s31, $0x16  }
0xe: {  	s13 =	simm.s32 $0x0;
	s12 =	simm.s32 $0x0;
	s9 =	smul.u32 $0x50, s8  }
.Ltmp0:
0xf: {  	s11 =	smov.u32 s1;
	s2 =	rddreg [dreg:$0x2];
	(pc) =	sbr.rel .LBB2_1-.Ltmp0, $4  }
0x10: {  	_ =	strace $0x8000004A;
	p0 =	sne.s32 s7, s9;
	s9 =	simm.s32 $0x1  }
0x11: {  	[sflag:s6] =	ssyncpa.u1 $0x0;
	s7 =	simm.s32 $0x2;
	s9 =	simm.s32 @!p0 $0x0  }
0x12: {  	[sflag:s7] =	ssyncpa.u1 $0x0;
	p0 =	por $0x0, $0x0;
	s8 =	sadd.s32 s8, s9  }
0x13: {  	v0 =	vimm.s32 $0x0;
	vm0 =	vmmov $0xff;
	vm1 =	vcmask $0x3F20;
	s9 =	sadd.s32 $0xFA00, s4;
	[sflag:s10] =	ssyncpa.u1 $0x0;
	s10 =	sadd.s32 $0x1, s8  }
.LBB2_6:
0x14: {  	[hbm:s17] =	stream.linear.scatter [tilespmem:s14], [sflag:$0x3], $0x400, $0x38;
	[tilespmem:$0x50A0] =	vst v63  }
.LBB2_7:
0x15: {  	s13 =	sadd.s32 $0x50, s11  }
0x16: {  	s15 =	smov.u32 s1;
	p2 =	slt.s32 s13, s3  }
0x17: {  	s15 =	smov.u32 @p2 s13;
	p2 =	sne.s32 s12, s10  }
.Ltmp1:
0x18: {  	p1 =	slt.u32 s12, $0x2;
	(pc) =	sbr.rel @!p2 .LBB2_8-.Ltmp1, $4  }
0x19: {  	s14 =	simm.s32 @!p1 $0x3  }
0x1a: {  	s16 =	sadd.s32 $0x1, s12;
	_ =	swait.ge @!p1 [sflag:s14], $0x2800  }
0x1b: {  	p0 =	por !p0, !p0;
	s13 =	smov.u32 s11;
	[sflag:s14] =	ssyncset.done @!p1 $0x0  }
0x1c: {  	s12 =	smov.u32 s16;
	s11 =	smov.u32 s15;
	[sflag:s14] =	ssyncadd.s32 @!p1 $0xFFFFD800  }
.LBB2_1:
0x1d: {  	p1 =	sge.u32 s12, s8  }
0x1e: {  	s14 =	sxor.u32 @!p1 $0xFFFFFFFF, s12  }
0x1f: {  	s14 =	sand.u32 @!p1 $0x1, s14  }
0x20: {  	s14 =	smul.u32 @!p1 $0x140, s14  }
0x21: {  	s31 =	sadd.s32 $0xFFFFFFFF, s12;
	s15 =	sshrl.u32 @!p1 s11, $0x3  }
0x22: {  	s16 =	sand.u32 @!p1 $0x7, s11;
	s15 =	sadd.s32 @!p1 s5, s15;
	s14 =	sshrl.u32 @!p1 s14, $0x2  }
0x23: {  	[tilespmem:s14], [sflag:$0x2] =	stream.linear.gather @!p1 [hbm4b:s15+s16], $0x50, $0x38;
	[tilespmem:$0x50A0] =	vst v63  }
0x24: {  	p1 =	sge.u32 s31, s8  }
.Ltmp2:
0x25: {  	_ = 	snop;
	(pc) =	sbr.rel @p1 .LBB2_7-.Ltmp2, $1  }
0x26: {  	_ =	sdelay $0x3  }
0x27: {  	s14 =	simm.s32 $0x1  }
0x28: {  	s14 =	simm.s32 @!p0 $0x0  }
0x29: {  	s15 =	smul.u32 $0x140, s14  }
0x2a: {  	_ =	swait.ge [sflag:s7], $0x50  }
0x2b: {  	[sflag:s7] =	ssyncset.done $0x0;
	s16 =	sshrl.u32 s15, $0x2  }
0x2c: {  	[sflag:s7] =	ssyncadd.s32 $0xFFFFFFB0;
	s15 =	sadd.s32 $0x0, s16  }
0x2d: {  	v1 =	vld.msk [tilespmem:s15+$0x0 ss:$0x1], $0xffff;
	_ =	sdelay $0x4  }
0x2e: {  	v2 =	vand.u32 $0x1, v1;
	v3 =	vshll.u32 v1, $0x6  }
0x2f: {  	vm2 =	veq.s32 v1, $0x80000000;
	vm3 =	veq.s32 v2, $0x1;
	v1 =	vand.u32 $0x3FF80, v3  }
0x30: {  	v2 =	vsel vm3, $0x3E800, v0;
	v1 =	vsel vm2, $0xFFFFFF80, v1  }
0x31: {  	v2 =	vsel vm2, $0xFFFC1800, v2;
	v3 =	vand.u32 $0xFFFFFC00, v1  }
0x32: {  	v1 =	vand.u32 $0x380, v1;
	v2 =	vadd.s32 v2, v3  }
0x33: {  	v1 =	vor.u32 v1, v2  }
0x34: {  	v1 =	vshrl.u32 v1, $0x3  }
0x35: {  	s14 =	smul.u32 $0xA000, s14;
	_ =	sdelay $0x1  }
0x36: {  	s14 =	sshrl.u32 s14, $0x2  }
0x37: {  	s14 =	sor.u32 $0xA0, s14  }
0x38: {  	[tilespmem:s14], [sflag:$0x1] =	stream.indirect_vreg.gather [hbm:s4], $0x80, v1, vm0, $0x38;
	[tilespmem:$0x50A0] =	vst v63  }
0x39: {  	s17 =	sadd.s32 $0x10, s16;
	s15 =	sadd.s32 $0x400, s14  }
0x3a: {  	[tilespmem:s15], [sflag:$0x1] =	stream.indirect_vreg.gather [hbm:s4], $0x80, v1, vm1, $0x38;
	[tilespmem:$0x50A0] =	vst v63  }
0x3b: {  	s18 =	simm.s32 $0x80;
	v1 =	vld.msk [tilespmem:s17+$0x0 ss:$0x1], $0xffff;
	s17 =	smov.u32 s14  }
.LBB2_3:
0x3c: {  	p1 =	sne.s32 s18, $0x100;
	_ =	sdelay $0x4  }
0x3d: {  	v2 =	vand.u32 $0x1, v1;
	v3 =	vshll.u32 v1, $0x6  }
0x3e: {  	vm2 =	veq.s32 v1, $0x80000000;
	vm3 =	veq.s32 v2, $0x1;
	v1 =	vand.u32 $0x3FF80, v3  }
0x3f: {  	v2 =	vsel vm3, $0x3E800, v0;
	v1 =	vsel vm2, $0xFFFFFF80, v1  }
0x40: {  	v2 =	vsel vm2, $0xFFFC1800, v2;
	v3 =	vand.u32 $0xFFFFFC00, v1  }
0x41: {  	v1 =	vand.u32 $0x380, v1;
	v2 =	vadd.s32 v2, v3  }
0x42: {  	v1 =	vor.u32 v1, v2  }
0x43: {  	v1 =	vshrl.u32 v1, $0x3;
	_ =	sdelay $0x3  }
.Ltmp3:
0x44: {  	s19 =	sshra.s32 s18, $0x2;
	s17 =	sadd.s32 $0x800, s17;
	(pc) =	sbr.rel @p1 .LBB2_3-.Ltmp3, $4  }
0x45: {  	[tilespmem:s17], [sflag:$0x1] =	stream.indirect_vreg.gather [hbm:s4], $0x80, v1, vm0, $0x38;
	[tilespmem:$0x50A0] =	vst v63  }
0x46: {  	s19 =	sadd.s32 s19, s16;
	s20 =	sadd.s32 $0x400, s17  }
0x47: {  	[tilespmem:s20], [sflag:$0x1] =	stream.indirect_vreg.gather [hbm:s4], $0x80, v1, vm1, $0x38;
	[tilespmem:$0x50A0] =	vst v63  }
0x48: {  	s18 =	sadd.s32 $0x40, s18;
	v1 =	vld.msk [tilespmem:s19+$0x0 ss:$0x1], $0xffff  }
0x49: {  	_ =	sdelay $0x3  }
0x4a: {  	v2 =	vand.u32 $0x1, v1;
	v3 =	vshll.u32 v1, $0x6  }
0x4b: {  	vm2 =	veq.s32 v1, $0x80000000;
	vm3 =	veq.s32 v2, $0x1;
	v1 =	vand.u32 $0x3FF80, v3  }
0x4c: {  	v2 =	vsel vm3, $0x3E800, v0;
	v1 =	vsel vm2, $0xFFFFFF80, v1  }
0x4d: {  	v2 =	vsel vm2, $0xFFFC1800, v2;
	v3 =	vand.u32 $0xFFFFFC00, v1  }
0x4e: {  	v1 =	vand.u32 $0x380, v1;
	v2 =	vadd.s32 v2, v3  }
0x4f: {  	v1 =	vor.u32 v1, v2  }
0x50: {  	v1 =	vshrl.u32 v1, $0x3;
	_ =	sdelay $0x3  }
0x51: {  	s16 =	sadd.s32 $0x800, s17  }
0x52: {  	[tilespmem:s16], [sflag:$0x1] =	stream.indirect_vreg.gather [hbm:s4], $0x80, v1, vm0, $0x38;
	[tilespmem:$0x50A0] =	vst v63  }
0x53: {  	s16 =	sadd.s32 $0x400, s16  }
0x54: {  	[tilespmem:s16], [sflag:$0x1] =	stream.indirect_vreg.gather [hbm:s4], $0x80, v1, vm1, $0x38;
	[tilespmem:$0x50A0] =	vst v63  }
0x55: {  	s13 =	sshll.u32 s13, $0x4;
	_ =	swait.ge [sflag:s6], $0x2800  }
0x56: {  	s13 =	sadd.s32 s13, s9;
	[sflag:s6] =	ssyncset.done $0x0  }
0x57: {  	s17 =	sadd.s32 $0x0, s13;
	s16 =	simm.s32 $0x80;
	[sflag:s6] =	ssyncadd.s32 $0xFFFFD800  }
.LBB2_5:
0x58: {  	[hbm:s17] =	stream.linear.scatter [tilespmem:s14], [sflag:$0x3], $0x400, $0x38;
	[tilespmem:$0x50A0] =	vst v63  }
0x59: {  	s17 =	smov.u32 s16;
	s14 =	smov.u32 s15;
	p1 =	sne.s32 s16, $0x480  }
.Ltmp4:
0x5a: {  	s16 =	sadd.s32 $0x80, s16;
	(pc) =	sbr.rel @p1 .LBB2_5-.Ltmp4, $2  }
0x5b: {  	_ =	sdelay $0x2  }
0x5c: {  	s15 =	sadd.s32 $0x400, s15;
	s17 =	sadd.s32 s17, s13  }
.Ltmp5:
0x5d: {  	_ = 	snop;
	(pc) =	sbr.rel .LBB2_6-.Ltmp5, $1  }
0x5e: {  	_ =	sdelay $0x3  }
.LBB2_8:
0x5f: {  	_ =	sfence.sel $0x180000  }
0x60: {  	s1 =	simm.s32 $0x2;
	[bflag:$0x0] =	sbarrier.arrive $0xFFFF  }
0x61: {  	s30 =	simm.s32 $0x3;
	[sflag:s1] =	ssyncpa.u1 $0x1  }
0x62: {  	s31 =	simm.s32 $0x1;
	[sflag:s30] =	ssyncpa.u1 $0x1  }
0x63: {  	[sflag:s31] =	ssyncpa.u1 $0x1  }
0x64: {  	p0 =	sne.s32 s0, $0x0;
	_ =	strace $0x9000004A  }
0x65: {  	s0 =	sadd.s32 @!p0 $0x100000, s2;
	[bflag:$0x2] =	sbarrier.arrive $0xFFFF  }
0x66: {  	[sflag:s0] =	ssyncadd.tile.s32 @!p0 $0x1;
	_ =	shalt  }
.Lfunc_end2:
_tile_overlayer_lowered:
.L_overlay_start_2:
0x67: {  	(tag) =	ssettag $0x2  }
0x68: {  	s0 =	rddreg [dreg:$0x0];
	s2 =	stileid.u32  }
0x69: {  	s1 =	rddreg [dreg:$0x1];
	p0 =	sne.s32 s2, $0x0  }
0x6a: {  	s3 =	rddreg [dreg:$0x2];
	[bflag:$0x3] =	sbarrier.arrive $0xFFFF;
	s2 =	simm.s32 @!p0 $0x1C01  }
0x6b: {  	[timem:s3], [sflag:s2] =	dma.local @!p0 [hbm:s0], s1  }
0x6c: {  	s0 =	simm.s32 @!p0 $0x1  }
0x6d: {  	_ =	swait.ge @!p0 [sflag:s0], s1  }
0x6e: {  	s1 =	ssub.s32 @!p0 $0x0, s1;
	[sflag:s0] =	ssyncset.done @!p0 $0x0  }
0x6f: {  	[sflag:s0] =	ssyncadd.s32 @!p0 s1  }
0x70: {  	[bflag:$0x3] =	sbarrier.arrive $0xFFFF  }
0x71: {  	_ =	shalt  }

// kernel: gather_offload_async_start
scs
__scs_entry_jumppad:
0x0: {  	(pc) =	sbr.rel $0x88, $3  }
0x1: {  	(tag) =	ssettag $0x0;
	lr =	simm.s32 $0x1  }
0x2: {  	[smem:$0x3F9A] =	sst lr;
	_ =	strace $0xD0000000  }
0x3: {  	_ = 	snop  }
0x4: {  	_ = 	snop  }
0x5: {  	_ = 	snop  }
0x6: {  	_ = 	snop  }
0x7: {  	_ = 	snop  }
__scs_overlays_trampoline_lowered:
0x8: {  	[smem:$0x3FA9] =	sst s0  }
0x9: {  	[smem:$0x3FAA] =	sst s1  }
0xa: {  	[smem:$0x3FAB] =	sst s2  }
0xb: {  	[smem:$0x3FAC] =	sst s3  }
0xc: {  	[smem:$0x3FAD] =	sst s4  }
0xd: {  	[smem:$0x3FAE] =	sst s5  }
0xe: {  	[smem:$0x3FAF] =	sst s6  }
0xf: {  	[smem:$0x3FB0] =	sst s7  }
0x10: {  	[smem:$0x3FB1] =	sst s8  }
0x11: {  	[smem:$0x3FB2] =	sst s9;
	s0 =	simm.s32 @!p0 $0x0  }
0x12: {  	s1 =	sld [smem:$0x3F98];
	s0 =	simm.s32 @p0 $0x1  }
0x13: {  	[smem:$0x3FB3] =	sst s0;
	s0 =	simm.s32 @!p1 $0x0  }
0x14: {  	s2 =	sld [smem:$0x3F97];
	s0 =	simm.s32 @p1 $0x1  }
0x15: {  	[smem:$0x3FB4] =	sst s0;
	s0 =	simm.s32 @!p2 $0x0  }
0x16: {  	s3 =	sld [smem:$0x3FDB];
	s0 =	simm.s32 @p2 $0x1  }
0x17: {  	s4 =	simm.s32 $0x1BF5;
	[smem:$0x3FB6] =	sst s0  }
0x18: {  	s0 =	sld [smem:$0x3F99];
	_ =	swait.ge [sflag:s4], $0x0  }
0x19: {  	s7 =	sld [smem:$0x3F9A]  }
0x1a: {  	s8 =	sadd.s32 $0xFFFFE003, lr  }
0x1b: {  	s9 =	sadd.s32 $0xFFFFFEF7, lr;
	s5 =	simm.s32 $0xFFFFFFFF;
	p2 =	slt.u32 s8, $0xFFFFF086  }
0x1c: {  	p1 =	slt.u32 s9, $0xF7A;
	s5 =	simm.s32 @!p2 $0x0  }
0x1d: {  	s5 =	simm.s32 @p1 $0x1;
	p0 =	seq.s32 s7, s2  }
0x1e: {  	s7 =	smul.u32 @!p0 $0xF7A, s2;
	p2 =	seq.s32 @!p0 s5, $0x0  }
0x1f: {  	s9 =	smul.u32 $0xF7A, s1;
	s8 =	simm.s32 @!p0 $0x1BF5;
	p2 =	por !p2, p0  }
0x20: {  	[sflag:s8] =	ssyncset.s32 @!p0 $0xFFFFF086;
	s6 =	sadd.s32 @!p0 s3, s7;
	s7 =	simm.s32 @!p0 $0x108  }
0x21: {  	s3 =	sadd.s32 s3, s9;
	s6 =	sadd.s32 @!p0 $0x88, s6;
	s7 =	simm.s32 @p2 $0x1082  }
0x22: {  	[simem:s7], [sflag:s8] =	dma.local @!p0 [hbm:s6], $0xF7A  }
0x23: {  	s9 =	sor.u32 $0xD0000000, s2;
	s6 =	simm.s32 $0x108;
	_ =	swait.ge @!p0 [sflag:s8], $0x0  }
0x24: {  	s3 =	sadd.s32 $0x88, s3;
	s6 =	simm.s32 @!p1 $0x1082;
	[sflag:s4] =	ssyncset.s32 $0xFFFFF086  }
0x25: {  	[simem:s6], [sflag:s4] =	dma.local [hbm:s3], $0xF7A  }
0x26: {  	[smem:$0x3F9A] =	sst s1;
	(tag) =	ssettag s2;
	_ =	strace s9  }
0x27: {  	s1 =	sld [smem:$0x3FAA]  }
0x28: {  	s2 =	sld [smem:$0x3FAB]  }
0x29: {  	s4 =	sld [smem:$0x3FAD]  }
0x2a: {  	p0 =	seq.s32 s5, $0x0;
	s5 =	sld [smem:$0x3FAE]  }
0x2b: {  	s6 =	sld [smem:$0x3FAF]  }
0x2c: {  	s7 =	sld [smem:$0x3FB0]  }
0x2d: {  	s3 =	simm.s32 $0x108;
	s8 =	sld [smem:$0x3FB1]  }
0x2e: {  	s3 =	simm.s32 @!p0 $0x1082;
	s9 =	sld [smem:$0x3FB2]  }
0x2f: {  	lr =	sadd.s32 s0, s3;
	s0 =	sld [smem:$0x3FA9]  }
0x30: {  	s3 =	sld [smem:$0x3FAC]  }
0x31: {  	[smem:$0x3FB5] =	sst s10  }
0x32: {  	s10 =	sld [smem:$0x3FB3];
	_ =	sdelay $0x3  }
0x33: {  	p0 =	seq.s32 s10, $0x1;
	s10 =	sld [smem:$0x3FB5];
	_ =	sdelay $0x3  }
0x34: {  	[smem:$0x3FB5] =	sst s10  }
0x35: {  	s10 =	sld [smem:$0x3FB4];
	_ =	sdelay $0x3  }
0x36: {  	p1 =	seq.s32 s10, $0x1;
	s10 =	sld [smem:$0x3FB5];
	_ =	sdelay $0x3  }
0x37: {  	[smem:$0x3FB5] =	sst s10  }
0x38: {  	s10 =	sld [smem:$0x3FB6]  }
0x39: {  	_ = 	snop;
	(pc) =	sbr.ind lr, $3  }
0x3a: {  	_ = 	snop  }
0x3b: {  	_ = 	snop  }
0x3c: {  	p2 =	seq.s32 s10, $0x1;
	s10 =	sld [smem:$0x3FB5]  }
0x3d: {  	_ =	shalt  }
0x3e: {  	_ =	shalt  }
0x3f: {  	_ =	shalt  }
0x40: {  	_ =	shalt  }
0x41: {  	_ =	shalt  }
0x42: {  	_ =	shalt  }
0x43: {  	_ =	shalt  }
0x44: {  	_ =	shalt  }
0x45: {  	_ =	shalt  }
0x46: {  	_ =	shalt  }
0x47: {  	_ =	shalt  }
0x48: {  	_ =	shalt  }
0x49: {  	_ =	shalt  }
0x4a: {  	_ =	shalt  }
0x4b: {  	_ =	shalt  }
0x4c: {  	_ =	shalt  }
0x4d: {  	_ =	shalt  }
0x4e: {  	_ =	shalt  }
0x4f: {  	_ =	shalt  }
0x50: {  	_ =	shalt  }
0x51: {  	_ =	shalt  }
0x52: {  	_ =	shalt  }
0x53: {  	_ =	shalt  }
0x54: {  	_ =	shalt  }
0x55: {  	_ =	shalt  }
0x56: {  	_ =	shalt  }
0x57: {  	_ =	shalt  }
0x58: {  	_ =	shalt  }
0x59: {  	_ =	shalt  }
0x5a: {  	_ =	shalt  }
0x5b: {  	_ =	shalt  }
0x5c: {  	_ =	shalt  }
0x5d: {  	_ =	shalt  }
0x5e: {  	_ =	shalt  }
0x5f: {  	_ =	shalt  }
0x60: {  	_ =	shalt  }
0x61: {  	_ =	shalt  }
0x62: {  	_ =	shalt  }
0x63: {  	_ =	shalt  }
0x64: {  	_ =	shalt  }
0x65: {  	_ =	shalt  }
0x66: {  	_ =	shalt  }
0x67: {  	_ =	shalt  }
0x68: {  	_ =	shalt  }
0x69: {  	_ =	shalt  }
0x6a: {  	_ =	shalt  }
0x6b: {  	_ =	shalt  }
0x6c: {  	_ =	shalt  }
0x6d: {  	_ =	shalt  }
0x6e: {  	_ =	shalt  }
0x6f: {  	_ =	shalt  }
0x70: {  	_ =	shalt  }
0x71: {  	_ =	shalt  }
0x72: {  	_ =	shalt  }
0x73: {  	_ =	shalt  }
0x74: {  	_ =	shalt  }
0x75: {  	_ =	shalt  }
0x76: {  	_ =	shalt  }
0x77: {  	_ =	shalt  }
0x78: {  	_ =	shalt  }
0x79: {  	_ =	shalt  }
0x7a: {  	_ =	shalt  }
0x7b: {  	_ =	shalt  }
0x7c: {  	_ =	shalt  }
0x7d: {  	_ =	shalt  }
0x7e: {  	_ =	shalt  }
0x7f: {  	_ =	shalt  }
0x80: {  	_ =	shalt  }
0x81: {  	_ =	shalt  }
0x82: {  	_ =	shalt  }
0x83: {  	_ =	shalt  }
0x84: {  	_ =	shalt  }
0x85: {  	_ =	shalt  }
0x86: {  	_ =	shalt  }
0x87: {  	_ =	shalt  }
.Lfunc_end0:
.L_simem_size_0:
called_computation_lowered:
.L_overlay_start_0:
0x88: {  	s2 =	sld [smem:$0x3FD9]  }
0x89: {  	s3 =	sld [smem:$0x3FFE];
	_ =	sdelay $0x1  }
0x8a: {  	s1 =	srdreg.scid  }
0x8b: {  	s0 =	sand.u32 $0x1, s1  }
0x8c: {  	s14 =	sshll.u32 s0, $0xA;
	s2 =	sadd.s32 s3, s2  }
0x8d: {  	s2 =	sadd.s32 s2, s14  }
0x8e: {  	[smem:$0x3FC1] =	sst s2  }
0x8f: {  	_ = 	snop  }
0x90: {  	s2 =	sld [smem:$0x3FD0];
	_ =	sdelay $0x2  }
0x91: {  	s15 =	simm.s32 $0xA;
	s4 =	simm.s32 $0x10  }
0x92: {  	[smem:s4], [sflag:s15] =	dma.local [hbm:s2], $0x1  }
0x93: {  	_ =	swait.eq [sflag:s15], $0x1  }
0x94: {  	[sflag:s15] =	ssyncset.done $0x0  }
0x95: {  	[sflag:s15] =	ssyncadd.s32 $0xFFFFFFFF  }
0x96: {  	s16 =	sld [smem:$0x10];
	(tm) =	ssettm $0x1  }
0x97: {  	s17 =	sld [smem:$0x3FFB];
	_ =	sdelay $0x3  }
0x98: {  	_ =	strace s17  }
0x99: {  	s3 =	sld [smem:$0x3FFC];
	_ =	sdelay $0x3  }
0x9a: {  	_ =	strace s3  }
0x9b: {  	s3 =	sld [smem:$0x3FFD];
	_ =	sdelay $0x3  }
0x9c: {  	_ =	strace s3  }
0x9d: {  	_ =	strace $0x8FFFFFFF  }
0x9e: {  	s18 =	sld [smem:$0x3FDB];
	_ =	sdelay $0x1  }
0x9f: {  	s19 =	simm.s32 $_scs_section_size  }
0xa0: {  	s5 =	simm.s32 $_size__tile_overlayer_lowered;
	s6 =	simm.s32 $_tile_overlayer_lowered  }
0xa1: {  	s22 =	simm.s32 $0x1BFF;
	s21 =	sshll.u32 s6, $0x1;
	s3 =	sadd.s32 s19, s18  }
0xa2: {  	s7 =	simm.s32 $0x0;
	s20 =	sshll.u32 s5, $0x1;
	s5 =	sadd.s32 s21, s3  }
0xa3: {  	[timem:s7], [sflag:s22] =	dma.local [hbm:s5], s20  }
0xa4: {  	_ =	swait.ge [sflag:s22], s20  }
0xa5: {  	s4 =	ssub.s32 $0x0, s20;
	[sflag:s22] =	ssyncset.done $0x0  }
0xa6: {  	[sflag:s22] =	ssyncadd.s32 s4;
	_ =	sdelay $0x1  }
0xa7: {  	s23 =	simm.s32 $0x1B8B  }
0xa8: {  	_ =	swait.ge [sflag:s23], $0x1  }
0xa9: {  	[sflag:s23] =	ssyncset.done $0x0  }
0xaa: {  	s25 =	simm.s32 $0x1B8E;
	s24 =	sld [smem:$0x3FFE];
	[sflag:s23] =	ssyncadd.s32 $0xFFFFFFFF  }
0xab: {  	s26 =	simm.s32 $execute0_lowered;
	[smem:$0x3FD2] =	sst s25  }
0xac: {  	s5 =	sshll.u32 s26, $0x1;
	_ =	strace $0x80000046;
	[dreg:$0x1] =	wrdreg $0xFFFFFFFF  }
0xad: {  	s28 =	simm.s32 $_size_execute0_lowered;
	s3 =	sadd.s32 s3, s5;
	[dreg:$0x0] =	wrdreg $0x0  }
0xae: {  	s5 =	sshll.u32 s28, $0x1;
	[dreg:$0x2] =	wrdreg s3  }
0xaf: {  	[dreg:$0x3] =	wrdreg s5  }
0xb0: {  	[dreg:$0x4] =	wrdreg $0xC0  }
0xb1: {  	_ =	task [dreg:s7], $0x5FFFF  }
0xb2: {  	[dreg:$0x1] =	wrdreg $0xFFFFFFFF  }
0xb3: {  	[dreg:$0x0] =	wrdreg $0x60  }
0xb4: {  	[dreg:$0x2] =	wrdreg s24  }
0xb5: {  	[dreg:$0x3] =	wrdreg s16  }
0xb6: {  	[dreg:$0x4] =	wrdreg $0x9  }
0xb7: {  	_ =	task.clear_ibuf [dreg:s7], $0x5FFFF;
	_ =	strace $0x90000046  }
0xb8: {  	s29 =	simm.s32 $0x9;
	_ =	strace $0x80000048  }
0xb9: {  	_ =	swait.ge [sflag:s29], $0x1  }
0xba: {  	[sflag:s29] =	ssyncadd.s32 $0xFFFFFFFF  }
0xbb: {  	_ =	strace $0x90000048  }
0xbc: {  	_ =	sfence  }
0xbd: {  	s30 =	sld [smem:$0x0];
	_ =	sdelay $0x2  }
0xbe: {  	s31 =	sshll.u32 s1, $0xD;
	s1 =	sshrl.u32 s1, $0x2  }
0xbf: {  	s3 =	sand.u32 $0x4000, s31;
	s1 =	sadd.s32 s1, s30  }
0xc0: {  	s0 =	sor.u32 s3, s0;
	s1 =	sshll.u32 s1, $0x11  }
0xc1: {  	s0 =	sor.u32 s1, s0  }
0xc2: {  	s0 =	sadd.s32 $0x8F2B, s0  }
0xc3: {  	[sflag:s0] =	ssyncadd.remote.s32 $0x1  }
0xc4: {  	_ =	sfence.sel $0xFFFF  }
0xc5: {  	[dreg:$0x0] =	wrdreg $0xFFFFFFFF;
	(pc) =	sbr.abs _section_cstart, $3  }
0xc6: {  	[dreg:$0x1] =	wrdreg $0xFFFFFFFF  }
0xc7: {  	_ =	task.clear_ibuf [dreg:s7], $0x2FFFF;
	_ =	strace $0x9FFFFFFF  }
0xc8: {  	(tm) =	ssettm $0x7FFFFFFF  }
0xc9: {  	_ =	shalt  }
tec
execute0_lowered:
.L_overlay_start_1:
0x0: {  	(tag) =	ssettag $0x1  }
0x1: {  	s0 =	srdreg.scid  }
0x2: {  	s1 =	sshll.u32 s0, $0x4  }
0x3: {  	s0 =	stileid.u32;
	s1 =	sand.u32 $0x10, s1  }
0x4: {  	s2 =	sor.u32 s0, s1  }
0x5: {  	s1 =	smin.u32 s2, $0x12  }
0x6: {  	s1 =	sadd.s32 s2, s1  }
0x7: {  	p0 =	slt.u32 s2, $0x12;
	s2 =	simm.s32 $0xA0;
	s1 =	smul.u32 $0x50, s1  }
0x8: {  	s2 =	simm.s32 @!p0 $0x50  }
0x9: {  	s2 =	sadd.s32 s2, s1  }
0xa: {  	s3 =	smin.u32 s2, $0xFA0  }
0xb: {  	s7 =	ssub.s32 s3, s1  }
0xc: {  	p0 =	sgt.s32 s7, $0x0  }
0xd: {  	s7 =	simm.s32 @!p0 $0x0  }
0xe: {  	s4 =	rddreg [dreg:$0x0];
	s31 =	smul.u32 $0xCCCD, s7  }
0xf: {  	s5 =	rddreg [dreg:$0x1]  }
0x10: {  	s6 =	simm.s32 $0x1;
	s10 =	simm.s32 $0x3;
	s8 =	sshrl.u32 s31, $0x16  }
0x11: {  	s13 =	simm.s32 $0x0;
	s12 =	simm.s32 $0x0;
	s9 =	smul.u32 $0x50, s8  }
.Ltmp0:
0x12: {  	s11 =	smov.u32 s1;
	s2 =	rddreg [dreg:$0x2];
	(pc) =	sbr.rel .LBB2_1-.Ltmp0, $4  }
0x13: {  	_ =	strace $0x80000047;
	p0 =	sne.s32 s7, s9;
	s9 =	simm.s32 $0x1  }
0x14: {  	[sflag:s6] =	ssyncpa.u1 $0x0;
	s7 =	simm.s32 $0x2;
	s9 =	simm.s32 @!p0 $0x0  }
0x15: {  	[sflag:s7] =	ssyncpa.u1 $0x0;
	p0 =	por $0x0, $0x0;
	s8 =	sadd.s32 s8, s9  }
0x16: {  	vm0 =	vmmov $0xff;
	vm1 =	vcmask $0x3F20;
	s9 =	sadd.s32 $0x20FA00, s4;
	[sflag:s10] =	ssyncpa.u1 $0x0;
	s10 =	sadd.s32 $0x1, s8  }
.LBB2_6:
0x17: {  	[hbm:s17] =	stream.linear.scatter [tilespmem:s14], [sflag:$0x3], $0x400, $0x38;
	[tilespmem:$0x50A0] =	vst v63  }
.LBB2_7:
0x18: {  	s13 =	sadd.s32 $0x50, s11  }
0x19: {  	s15 =	smov.u32 s1;
	p2 =	slt.s32 s13, s3  }
0x1a: {  	s15 =	smov.u32 @p2 s13;
	p2 =	sne.s32 s12, s10  }
.Ltmp1:
0x1b: {  	p1 =	slt.u32 s12, $0x2;
	(pc) =	sbr.rel @!p2 .LBB2_8-.Ltmp1, $4  }
0x1c: {  	s14 =	simm.s32 @!p1 $0x3  }
0x1d: {  	s16 =	sadd.s32 $0x1, s12;
	_ =	swait.ge @!p1 [sflag:s14], $0x2800  }
0x1e: {  	p0 =	por !p0, !p0;
	s13 =	smov.u32 s11;
	[sflag:s14] =	ssyncset.done @!p1 $0x0  }
0x1f: {  	s12 =	smov.u32 s16;
	s11 =	smov.u32 s15;
	[sflag:s14] =	ssyncadd.s32 @!p1 $0xFFFFD800  }
.LBB2_1:
0x20: {  	p1 =	sge.u32 s12, s8  }
0x21: {  	s14 =	sxor.u32 @!p1 $0xFFFFFFFF, s12  }
0x22: {  	s14 =	sand.u32 @!p1 $0x1, s14  }
0x23: {  	s14 =	smul.u32 @!p1 $0x140, s14  }
0x24: {  	s31 =	sadd.s32 $0xFFFFFFFF, s12;
	s15 =	sshrl.u32 @!p1 s11, $0x3  }
0x25: {  	s16 =	sand.u32 @!p1 $0x7, s11;
	s15 =	sadd.s32 @!p1 s5, s15;
	s14 =	sshrl.u32 @!p1 s14, $0x2  }
0x26: {  	[tilespmem:s14], [sflag:$0x2] =	stream.linear.gather @!p1 [hbm4b:s15+s16], $0x50, $0x38;
	[tilespmem:$0x50A0] =	vst v63  }
0x27: {  	p1 =	sge.u32 s31, s8  }
.Ltmp2:
0x28: {  	_ = 	snop;
	(pc) =	sbr.rel @p1 .LBB2_7-.Ltmp2, $1  }
0x29: {  	_ =	sdelay $0x3  }
0x2a: {  	s14 =	simm.s32 $0x1  }
0x2b: {  	s14 =	simm.s32 @!p0 $0x0  }
0x2c: {  	s15 =	smul.u32 $0x140, s14  }
0x2d: {  	_ =	swait.ge [sflag:s7], $0x50  }
0x2e: {  	[sflag:s7] =	ssyncset.done $0x0;
	s16 =	sshrl.u32 s15, $0x2  }
0x2f: {  	[sflag:s7] =	ssyncadd.s32 $0xFFFFFFB0;
	s15 =	sadd.s32 $0x0, s16  }
0x30: {  	v0 =	vld.msk [tilespmem:s15+$0x0 ss:$0x1], $0xffff;
	_ =	sdelay $0x4  }
0x31: {  	vm2 =	veq.s32 v0, $0x80000000;
	v1 =	vand.u32 $0x1, v0;
	v0 =	vshll.u32 v0, $0x7  }
0x32: {  	v1 =	vsel vm2, $0xFFFFFFFF, v1;
	v0 =	vand.u32 $0x7FFF00, v0  }
0x33: {  	v0 =	vsel vm2, $0xFFFFFF00, v0;
	v2 =	vand.u32 $0xFFFFFF00, v1;
	v1 =	vshll.u32 v1, $0x7  }
0x34: {  	v0 =	vadd.s32 v2, v0;
	v1 =	vand.u32 $0x80, v1  }
0x35: {  	v0 =	vor.u32 v1, v0  }
0x36: {  	v0 =	vshrl.u32 v0, $0x3  }
0x37: {  	s14 =	smul.u32 $0xA000, s14;
	_ =	sdelay $0x1  }
0x38: {  	s14 =	sshrl.u32 s14, $0x2  }
0x39: {  	s14 =	sor.u32 $0xA0, s14  }
0x3a: {  	[tilespmem:s14], [sflag:$0x1] =	stream.indirect_vreg.gather [hbm:s9], $0x80, v0, vm0, $0x38;
	[tilespmem:$0x50A0] =	vst v63  }
0x3b: {  	s17 =	sadd.s32 $0x10, s16;
	s15 =	sadd.s32 $0x400, s14  }
0x3c: {  	[tilespmem:s15], [sflag:$0x1] =	stream.indirect_vreg.gather [hbm:s9], $0x80, v0, vm1, $0x38;
	[tilespmem:$0x50A0] =	vst v63  }
0x3d: {  	s18 =	simm.s32 $0x80;
	v0 =	vld.msk [tilespmem:s17+$0x0 ss:$0x1], $0xffff;
	s17 =	smov.u32 s14  }
.LBB2_3:
0x3e: {  	p1 =	sne.s32 s18, $0x100;
	_ =	sdelay $0x4  }
0x3f: {  	vm2 =	veq.s32 v0, $0x80000000;
	v1 =	vand.u32 $0x1, v0;
	v0 =	vshll.u32 v0, $0x7  }
0x40: {  	v1 =	vsel vm2, $0xFFFFFFFF, v1;
	v0 =	vand.u32 $0x7FFF00, v0  }
0x41: {  	v0 =	vsel vm2, $0xFFFFFF00, v0;
	v2 =	vand.u32 $0xFFFFFF00, v1;
	v1 =	vshll.u32 v1, $0x7  }
0x42: {  	v0 =	vadd.s32 v2, v0;
	v1 =	vand.u32 $0x80, v1  }
0x43: {  	v0 =	vor.u32 v1, v0  }
0x44: {  	v0 =	vshrl.u32 v0, $0x3;
	_ =	sdelay $0x3  }
.Ltmp3:
0x45: {  	s19 =	sshra.s32 s18, $0x2;
	s17 =	sadd.s32 $0x800, s17;
	(pc) =	sbr.rel @p1 .LBB2_3-.Ltmp3, $4  }
0x46: {  	[tilespmem:s17], [sflag:$0x1] =	stream.indirect_vreg.gather [hbm:s9], $0x80, v0, vm0, $0x38;
	[tilespmem:$0x50A0] =	vst v63  }
0x47: {  	s19 =	sadd.s32 s19, s16;
	s20 =	sadd.s32 $0x400, s17  }
0x48: {  	[tilespmem:s20], [sflag:$0x1] =	stream.indirect_vreg.gather [hbm:s9], $0x80, v0, vm1, $0x38;
	[tilespmem:$0x50A0] =	vst v63  }
0x49: {  	s18 =	sadd.s32 $0x40, s18;
	v0 =	vld.msk [tilespmem:s19+$0x0 ss:$0x1], $0xffff  }
0x4a: {  	_ =	sdelay $0x3  }
0x4b: {  	vm2 =	veq.s32 v0, $0x80000000;
	v1 =	vand.u32 $0x1, v0;
	v63 =	vshll.u32 v0, $0x7  }
0x4c: {  	v1 =	vsel vm2, $0xFFFFFFFF, v1;
	v0 =	vand.u32 $0x7FFF00, v63  }
0x4d: {  	v0 =	vsel vm2, $0xFFFFFF00, v0;
	v2 =	vand.u32 $0xFFFFFF00, v1;
	v1 =	vshll.u32 v1, $0x7  }
0x4e: {  	v0 =	vadd.s32 v2, v0;
	v1 =	vand.u32 $0x80, v1  }
0x4f: {  	v0 =	vor.u32 v1, v0  }
0x50: {  	v0 =	vshrl.u32 v0, $0x3;
	_ =	sdelay $0x3  }
0x51: {  	s16 =	sadd.s32 $0x800, s17  }
0x52: {  	[tilespmem:s16], [sflag:$0x1] =	stream.indirect_vreg.gather [hbm:s9], $0x80, v0, vm0, $0x38;
	[tilespmem:$0x50A0] =	vst v63  }
0x53: {  	s16 =	sadd.s32 $0x400, s16  }
0x54: {  	[tilespmem:s16], [sflag:$0x1] =	stream.indirect_vreg.gather [hbm:s9], $0x80, v0, vm1, $0x38;
	[tilespmem:$0x50A0] =	vst v63  }
0x55: {  	s13 =	sshll.u32 s13, $0x4;
	_ =	swait.ge [sflag:s6], $0x2800  }
0x56: {  	s13 =	sadd.s32 s13, s4;
	[sflag:s6] =	ssyncset.done $0x0  }
0x57: {  	s17 =	sadd.s32 $0x0, s13;
	s16 =	simm.s32 $0x80;
	[sflag:s6] =	ssyncadd.s32 $0xFFFFD800  }
.LBB2_5:
0x58: {  	[hbm:s17] =	stream.linear.scatter [tilespmem:s14], [sflag:$0x3], $0x400, $0x38;
	[tilespmem:$0x50A0] =	vst v63  }
0x59: {  	s17 =	smov.u32 s16;
	s14 =	smov.u32 s15;
	p1 =	sne.s32 s16, $0x480  }
.Ltmp4:
0x5a: {  	s16 =	sadd.s32 $0x80, s16;
	(pc) =	sbr.rel @p1 .LBB2_5-.Ltmp4, $2  }
0x5b: {  	_ =	sdelay $0x2  }
0x5c: {  	s15 =	sadd.s32 $0x400, s15;
	s17 =	sadd.s32 s17, s13  }
.Ltmp5:
0x5d: {  	_ = 	snop;
	(pc) =	sbr.rel .LBB2_6-.Ltmp5, $1  }
0x5e: {  	_ =	sdelay $0x3  }
.LBB2_8:
0x5f: {  	_ =	sfence.sel $0x180000  }
0x60: {  	s1 =	simm.s32 $0x2;
	[bflag:$0x0] =	sbarrier.arrive $0xFFFF  }
0x61: {  	s30 =	simm.s32 $0x3;
	[sflag:s1] =	ssyncpa.u1 $0x1  }
0x62: {  	s31 =	simm.s32 $0x1;
	[sflag:s30] =	ssyncpa.u1 $0x1  }
0x63: {  	[sflag:s31] =	ssyncpa.u1 $0x1  }
0x64: {  	p0 =	sne.s32 s0, $0x0;
	_ =	strace $0x90000047  }
0x65: {  	s0 =	sadd.s32 @!p0 $0x100000, s2;
	[bflag:$0x2] =	sbarrier.arrive $0xFFFF  }
0x66: {  	[sflag:s0] =	ssyncadd.tile.s32 @!p0 $0x1;
	_ =	shalt  }
.Lfunc_end2:
_tile_overlayer_lowered:
.L_overlay_start_2:
0x67: {  	(tag) =	ssettag $0x2  }
0x68: {  	s0 =	rddreg [dreg:$0x0];
	s2 =	stileid.u32  }
0x69: {  	s1 =	rddreg [dreg:$0x1];
	p0 =	sne.s32 s2, $0x0  }
0x6a: {  	s3 =	rddreg [dreg:$0x2];
	[bflag:$0x3] =	sbarrier.arrive $0xFFFF;
	s2 =	simm.s32 @!p0 $0x1C01  }
0x6b: {  	[timem:s3], [sflag:s2] =	dma.local @!p0 [hbm:s0], s1  }
0x6c: {  	s0 =	simm.s32 @!p0 $0x1  }
0x6d: {  	_ =	swait.ge @!p0 [sflag:s0], s1  }
0x6e: {  	s1 =	ssub.s32 @!p0 $0x0, s1;
	[sflag:s0] =	ssyncset.done @!p0 $0x0  }
0x6f: {  	[sflag:s0] =	ssyncadd.s32 @!p0 s1  }
0x70: {  	[bflag:$0x3] =	sbarrier.arrive $0xFFFF  }
0x71: {  	_ =	shalt  }

</sc_bundles>
